<compile_context>
chip_gen: v7x
topology: tpu7x:2x2x1
jax: 0.10.2.dev20260603
libtpu: 0.0.44.dev20260713+nightly
codegen_flags: <defaults>
</compile_context>

<pallas_src>
import functools

import jax
import jax.numpy as jnp
from jax import lax
from jax.experimental import pallas as pl
from jax.experimental.pallas import tpu as pltpu
from jax.experimental.pallas import tpu_sc as plsc

_D = 64
_WIDE = 128
_LPAD = 56
_NC = 2
_NS = 16
_NW = _NC * _NS
_NBUF = 4
_LANES = 16


def _make_lookup(n_batch, seq_len):
    assert n_batch % (_NW * _NBUF) == 0
    b_per_w = n_batch // _NW
    n_iters = b_per_w // _NBUF
    mesh = plsc.VectorSubcoreMesh(core_axis_name="c", subcore_axis_name="s")

    @functools.partial(
        pl.kernel,
        mesh=mesh,
        out_type=jax.ShapeDtypeStruct((n_batch, seq_len, _D), jnp.float32),
        scratch_types=[pltpu.VMEM((b_per_w * _LPAD,), jnp.int32)]
        + [pltpu.VMEM((_LPAD, _WIDE), jnp.float32) for _ in range(_NBUF)]
        + [pltpu.VMEM((seq_len, _D), jnp.float32) for _ in range(_NBUF)]
        + [pltpu.SemaphoreType.DMA] * (2 * _NBUF),
    )
    def lookup(idx_hbm, table_hbm, out_hbm, idx_v, *refs):
        rows = refs[:_NBUF]
        sel = refs[_NBUF:2 * _NBUF]
        gsem = refs[2 * _NBUF:3 * _NBUF]
        wsem = refs[3 * _NBUF:4 * _NBUF]
        wid = lax.axis_index("s") * _NC + lax.axis_index("c")
        batch_base = wid * b_per_w
        pltpu.sync_copy(
            idx_hbm.at[pl.ds(batch_base * _LPAD, b_per_w * _LPAD)], idx_v)

        def fire_gather(bb, k):
            pltpu.async_copy(
                table_hbm.at[idx_v.at[pl.ds(bb * _LPAD, seq_len)]],
                rows[k].at[pl.ds(0, seq_len)],
                gsem[k],
            )

        def drain_gather(k):
            pltpu.make_async_copy(
                table_hbm.at[idx_v.at[pl.ds(0, seq_len)]],
                rows[k].at[pl.ds(0, seq_len)],
                gsem[k],
            ).wait()

        def compact(k):
            def per_row(j, carry):
                for q in range(_D // _LANES):
                    sel[k][j, pl.ds(q * _LANES, _LANES)] = (
                        rows[k][j, pl.ds(q * _LANES, _LANES)])
                return carry
            lax.fori_loop(0, seq_len, per_row, 0)

        def fire_write(bb, k):
            pltpu.async_copy(sel[k], out_hbm.at[batch_base + bb], wsem[k])

        def drain_write(k):
            pltpu.make_async_copy(
                sel[k], out_hbm.at[batch_base], wsem[k]).wait()

        for k in range(_NBUF):
            fire_gather(k, k)

        def body(t, carry):
            b0 = t * _NBUF
            for k in range(_NBUF):
                drain_gather(k)

                @pl.when(t > 0)
                def _():
                    drain_write(k)

                compact(k)
                fire_gather(lax.rem(b0 + k + _NBUF, b_per_w), k)
                fire_write(b0 + k, k)
            return carry

        lax.fori_loop(0, n_iters, body, 0)
        for k in range(_NBUF):
            drain_gather(k)
            drain_write(k)

    return lookup


def kernel(token_ids, embeddings):
    from jax.experimental import layout as jlayout
    b, l = token_ids.shape
    v, d = embeddings.shape
    table_wide = jlayout.with_layout_constraint(
        jnp.pad(embeddings, ((0, 0), (0, _WIDE - d))),
        jlayout.Layout((0, 1), ((8, 128),)),
    )
    idx_flat = jnp.pad(
        token_ids.astype(jnp.int32), ((0, 0), (0, _LPAD - l))).reshape(-1)
    return _make_lookup(b, l)(idx_flat, table_wide)

# --- scband reference (transcript-rebuilt; emitter-appended) ---
"""Pipeline reference for scband-embedding-23862838297134 (READ-ONLY COPY).

The authoritative reference and input builder live on the scoring server;
editing this copy changes nothing except your own understanding.
"""

import jax, jax.numpy as jnp
import numpy as np

VOCAB = 1000000
D_MODEL = 64

def setup_inputs(seed: int = 0) -> dict:
    key = jax.random.key(seed)
    k1, k2 = jax.random.split(key)
    token_ids = jax.random.randint(k1, (16384, 50), 0, VOCAB, dtype=jnp.int64 if jax.config.jax_enable_x64 else jnp.int32)
    embeddings = jax.random.normal(k2, (VOCAB, D_MODEL), dtype=jnp.float32) * (D_MODEL ** -0.5)
    return {"token_ids": token_ids, "embeddings": embeddings}

def reference(token_ids, embeddings):
    # Embedding lookup: embeddings[token_ids] -> [B, L, d_model]
    return jnp.take(embeddings, token_ids, axis=0)

if __name__ == "__main__":
    import jax
    _d = setup_inputs()
    print(jax.jit(kernel)(*tuple(_d.values())))

</pallas_src>

<mosaic_0001>
#map = affine_map<(d0, d1) -> (0)>
#map1 = affine_map<(d0, d1) -> (0, 0)>
#map2 = affine_map<(d0, d1) -> (0, 0, 0)>
module attributes {stable_mosaic.version = 14 : i64} {
  func.func @lookup(%arg0: i32, %arg1: i32, %arg2: memref<917504xi32, #tpu.memory_space<hbm>>, %arg3: memref<1000000x128xf32, #tpu.memory_space<hbm>>, %arg4: memref<16384x50x64xf32, #tpu.memory_space<hbm>>, %arg5: memref<28672xi32, #tpu.memory_space<vmem>>, %arg6: memref<56x128xf32, #tpu.memory_space<vmem>>, %arg7: memref<56x128xf32, #tpu.memory_space<vmem>>, %arg8: memref<56x128xf32, #tpu.memory_space<vmem>>, %arg9: memref<56x128xf32, #tpu.memory_space<vmem>>, %arg10: memref<50x64xf32, #tpu.memory_space<vmem>>, %arg11: memref<50x64xf32, #tpu.memory_space<vmem>>, %arg12: memref<50x64xf32, #tpu.memory_space<vmem>>, %arg13: memref<50x64xf32, #tpu.memory_space<vmem>>, %arg14: memref<!tpu.dma_semaphore, #tpu.memory_space<semaphore_mem>>, %arg15: memref<!tpu.dma_semaphore, #tpu.memory_space<semaphore_mem>>, %arg16: memref<!tpu.dma_semaphore, #tpu.memory_space<semaphore_mem>>, %arg17: memref<!tpu.dma_semaphore, #tpu.memory_space<semaphore_mem>>, %arg18: memref<!tpu.dma_semaphore, #tpu.memory_space<semaphore_mem>>, %arg19: memref<!tpu.dma_semaphore, #tpu.memory_space<semaphore_mem>>, %arg20: memref<!tpu.dma_semaphore, #tpu.memory_space<semaphore_mem>>, %arg21: memref<!tpu.dma_semaphore, #tpu.memory_space<semaphore_mem>>) attributes {dimension_semantics = [#tpu.dimension_semantics<core_parallel>, #tpu.dimension_semantics<subcore_parallel>], iteration_bounds = array<i64: 2, 16>, scalar_prefetch = 0 : i64, scratch_operands = 17 : i64, tpu.core_type = #tpu.core_type<sc_vector_subcore>, window_params = [{transform_indices = #map}, {transform_indices = #map1}, {transform_indices = #map2}]} {
    %mul3A = arith.constant 2 : i32
    %mul3A_0 = arith.muli %arg1, %mul3A : i32
    %add3A = arith.addi %mul3A_0, %arg0 : i32
    %mul3A_1 = arith.constant 512 : i32
    %mul3A_2 = arith.muli %add3A, %mul3A_1 : i32
    %mul3A_3 = arith.constant 56 : i32
    %mul3A_4 = arith.muli %mul3A_2, %mul3A_3 : i32
    "tpu.region"() ({
      %run_scoped3A = tpu.sem_alloc : memref<!tpu.dma_semaphore, #tpu.memory_space<semaphore_mem>>
      %dma_start3A_104 = tpu.memref_slice %arg2[%mul3A_4] : memref<917504xi32, #tpu.memory_space<hbm>> -> memref<28672xi32, #tpu.memory_space<hbm>>
      %dma_start3A_105 = tpu.memref_slice %arg2[%mul3A_4] : memref<917504xi32, #tpu.memory_space<hbm>> -> memref<28672xi32, #tpu.memory_space<hbm>>
      tpu.enqueue_dma source(%dma_start3A_105 : memref<28672xi32, #tpu.memory_space<hbm>>) target(%arg5 : memref<28672xi32, #tpu.memory_space<vmem>>) target_semaphore(%run_scoped3A : memref<!tpu.dma_semaphore, #tpu.memory_space<semaphore_mem>>)
      %dma_wait3A_106 = tpu.memref_slice %arg2[%mul3A_4] : memref<917504xi32, #tpu.memory_space<hbm>> -> memref<28672xi32, #tpu.memory_space<hbm>>
      %dma_wait3A_107 = tpu.memref_slice %arg2[%mul3A_4] : memref<917504xi32, #tpu.memory_space<hbm>> -> memref<28672xi32, #tpu.memory_space<hbm>>
      tpu.wait_dma2 semaphore(%run_scoped3A : memref<!tpu.dma_semaphore, #tpu.memory_space<semaphore_mem>>) src(%dma_wait3A_107 : memref<28672xi32, #tpu.memory_space<hbm>>) dst(%arg5 : memref<28672xi32, #tpu.memory_space<vmem>>)
      tpu.yield
    }) : () -> ()
    %dma_start3A = arith.constant 0 : i32
    %dma_start3A_5 = arith.constant 0 : i32
    %dma_start3A_6 = tpu.memref_slice %arg6[%dma_start3A, %dma_start3A_5] : memref<56x128xf32, #tpu.memory_space<vmem>> -> memref<50x128xf32, #tpu.memory_space<vmem>>
    %dma_start3A_7 = arith.constant 0 : i32
    %dma_start3A_8 = tpu.memref_slice %arg5[%dma_start3A_7] : memref<28672xi32, #tpu.memory_space<vmem>> -> memref<50xi32, #tpu.memory_space<vmem>>
    %dma_start3A_9 = arith.constant 0 : i32
    %dma_start3A_10 = arith.constant 0 : i32
    %dma_start3A_11 = tpu.memref_slice %arg3[%dma_start3A_9, %dma_start3A_10] : memref<1000000x128xf32, #tpu.memory_space<hbm>> -> memref<1000000x128xf32, #tpu.memory_space<hbm>>
    tpu.enqueue_indirect_dma source(%dma_start3A_11 : memref<1000000x128xf32, #tpu.memory_space<hbm>>) target(%dma_start3A_6 : memref<50x128xf32, #tpu.memory_space<vmem>>) offsets(%dma_start3A_8 : memref<50xi32, #tpu.memory_space<vmem>>) semaphore(%arg14 : memref<!tpu.dma_semaphore, #tpu.memory_space<semaphore_mem>>)
    %dma_start3A_12 = arith.constant 0 : i32
    %dma_start3A_13 = arith.constant 0 : i32
    %dma_start3A_14 = tpu.memref_slice %arg7[%dma_start3A_12, %dma_start3A_13] : memref<56x128xf32, #tpu.memory_space<vmem>> -> memref<50x128xf32, #tpu.memory_space<vmem>>
    %dma_start3A_15 = arith.constant 56 : i32
    %dma_start3A_16 = tpu.memref_slice %arg5[%dma_start3A_15] : memref<28672xi32, #tpu.memory_space<vmem>> -> memref<50xi32, #tpu.memory_space<vmem>>
    %dma_start3A_17 = arith.constant 0 : i32
    %dma_start3A_18 = arith.constant 0 : i32
    %dma_start3A_19 = tpu.memref_slice %arg3[%dma_start3A_17, %dma_start3A_18] : memref<1000000x128xf32, #tpu.memory_space<hbm>> -> memref<1000000x128xf32, #tpu.memory_space<hbm>>
    tpu.enqueue_indirect_dma source(%dma_start3A_19 : memref<1000000x128xf32, #tpu.memory_space<hbm>>) target(%dma_start3A_14 : memref<50x128xf32, #tpu.memory_space<vmem>>) offsets(%dma_start3A_16 : memref<50xi32, #tpu.memory_space<vmem>>) semaphore(%arg15 : memref<!tpu.dma_semaphore, #tpu.memory_space<semaphore_mem>>)
    %dma_start3A_20 = arith.constant 0 : i32
    %dma_start3A_21 = arith.constant 0 : i32
    %dma_start3A_22 = tpu.memref_slice %arg8[%dma_start3A_20, %dma_start3A_21] : memref<56x128xf32, #tpu.memory_space<vmem>> -> memref<50x128xf32, #tpu.memory_space<vmem>>
    %dma_start3A_23 = arith.constant 112 : i32
    %dma_start3A_24 = tpu.memref_slice %arg5[%dma_start3A_23] : memref<28672xi32, #tpu.memory_space<vmem>> -> memref<50xi32, #tpu.memory_space<vmem>>
    %dma_start3A_25 = arith.constant 0 : i32
    %dma_start3A_26 = arith.constant 0 : i32
    %dma_start3A_27 = tpu.memref_slice %arg3[%dma_start3A_25, %dma_start3A_26] : memref<1000000x128xf32, #tpu.memory_space<hbm>> -> memref<1000000x128xf32, #tpu.memory_space<hbm>>
    tpu.enqueue_indirect_dma source(%dma_start3A_27 : memref<1000000x128xf32, #tpu.memory_space<hbm>>) target(%dma_start3A_22 : memref<50x128xf32, #tpu.memory_space<vmem>>) offsets(%dma_start3A_24 : memref<50xi32, #tpu.memory_space<vmem>>) semaphore(%arg16 : memref<!tpu.dma_semaphore, #tpu.memory_space<semaphore_mem>>)
    %dma_start3A_28 = arith.constant 0 : i32
    %dma_start3A_29 = arith.constant 0 : i32
    %dma_start3A_30 = tpu.memref_slice %arg9[%dma_start3A_28, %dma_start3A_29] : memref<56x128xf32, #tpu.memory_space<vmem>> -> memref<50x128xf32, #tpu.memory_space<vmem>>
    %dma_start3A_31 = arith.constant 168 : i32
    %dma_start3A_32 = tpu.memref_slice %arg5[%dma_start3A_31] : memref<28672xi32, #tpu.memory_space<vmem>> -> memref<50xi32, #tpu.memory_space<vmem>>
    %dma_start3A_33 = arith.constant 0 : i32
    %dma_start3A_34 = arith.constant 0 : i32
    %dma_start3A_35 = tpu.memref_slice %arg3[%dma_start3A_33, %dma_start3A_34] : memref<1000000x128xf32, #tpu.memory_space<hbm>> -> memref<1000000x128xf32, #tpu.memory_space<hbm>>
    tpu.enqueue_indirect_dma source(%dma_start3A_35 : memref<1000000x128xf32, #tpu.memory_space<hbm>>) target(%dma_start3A_30 : memref<50x128xf32, #tpu.memory_space<vmem>>) offsets(%dma_start3A_32 : memref<50xi32, #tpu.memory_space<vmem>>) semaphore(%arg17 : memref<!tpu.dma_semaphore, #tpu.memory_space<semaphore_mem>>)
    %scan3A = arith.constant 0 : i32
    %scan3A_36 = arith.constant 0 : i32
    %scan3A_37 = arith.constant 128 : i32
    %scan3A_38 = arith.addi %scan3A_36, %scan3A_37 : i32
    %scan3A_39 = arith.constant 1 : i32
    scf.for %scan3A_104 = %scan3A_36 to %scan3A_38 step %scan3A_39  : i32 {
      %mul3A_105 = arith.constant 4 : i32
      %mul3A_106 = arith.muli %scan3A_104, %mul3A_105 : i32
      %dma_wait3A_107 = arith.constant 0 : i32
      %dma_wait3A_108 = arith.constant 0 : i32
      %dma_wait3A_109 = tpu.memref_slice %arg6[%dma_wait3A_107, %dma_wait3A_108] : memref<56x128xf32, #tpu.memory_space<vmem>> -> memref<50x128xf32, #tpu.memory_space<vmem>>
      %dma_wait3A_110 = arith.constant 0 : i32
      %dma_wait3A_111 = tpu.memref_slice %arg5[%dma_wait3A_110] : memref<28672xi32, #tpu.memory_space<vmem>> -> memref<50xi32, #tpu.memory_space<vmem>>
      %dma_wait3A_112 = arith.constant 0 : i32
      %dma_wait3A_113 = arith.constant 0 : i32
      %dma_wait3A_114 = tpu.memref_slice %arg3[%dma_wait3A_112, %dma_wait3A_113] : memref<1000000x128xf32, #tpu.memory_space<hbm>> -> memref<1000000x128xf32, #tpu.memory_space<hbm>>
      tpu.wait_indirect_dma semaphore(%arg14 : memref<!tpu.dma_semaphore, #tpu.memory_space<semaphore_mem>>) src(%dma_wait3A_114 : memref<1000000x128xf32, #tpu.memory_space<hbm>>) dst(%dma_wait3A_109 : memref<50x128xf32, #tpu.memory_space<vmem>>)
      %gt3A = arith.constant 0 : i32
      %gt3A_115 = arith.cmpi sgt, %scan3A_104, %gt3A : i32
      %convert_element_type3A = arith.extui %gt3A_115 : i1 to i32
      %cond3A = arith.constant 0 : i32
      %cond3A_116 = arith.cmpi ne, %convert_element_type3A, %cond3A : i32
      scf.if %cond3A_116 {
        %dma_wait3A_283 = arith.constant 0 : i32
        %dma_wait3A_284 = arith.constant 0 : i32
        %dma_wait3A_285 = tpu.memref_slice %arg4[%mul3A_2, %dma_wait3A_283, %dma_wait3A_284] : memref<16384x50x64xf32, #tpu.memory_space<hbm>> -> memref<1x50x64xf32, #tpu.memory_space<hbm>>
        %dma_wait3A_286 = tpu.memref_squeeze %dma_wait3A_285 : memref<1x50x64xf32, #tpu.memory_space<hbm>> -> memref<50x64xf32, #tpu.memory_space<hbm>>
        %dma_wait3A_287 = arith.constant 0 : i32
        %dma_wait3A_288 = arith.constant 0 : i32
        %dma_wait3A_289 = tpu.memref_slice %arg4[%mul3A_2, %dma_wait3A_287, %dma_wait3A_288] : memref<16384x50x64xf32, #tpu.memory_space<hbm>> -> memref<1x50x64xf32, #tpu.memory_space<hbm>>
        %dma_wait3A_290 = tpu.memref_squeeze %dma_wait3A_289 : memref<1x50x64xf32, #tpu.memory_space<hbm>> -> memref<50x64xf32, #tpu.memory_space<hbm>>
        tpu.wait_dma2 semaphore(%arg18 : memref<!tpu.dma_semaphore, #tpu.memory_space<semaphore_mem>>) src(%arg10 : memref<50x64xf32, #tpu.memory_space<vmem>>) dst(%dma_wait3A_290 : memref<50x64xf32, #tpu.memory_space<hbm>>)
      } else {
      }
      %scan3A_117 = arith.constant 0 : i32
      %scan3A_118 = arith.constant 0 : i32
      %scan3A_119 = arith.constant 50 : i32
      %scan3A_120 = arith.addi %scan3A_118, %scan3A_119 : i32
      %scan3A_121 = arith.constant 1 : i32
      scf.for %scan3A_283 = %scan3A_118 to %scan3A_120 step %scan3A_121  : i32 {
        %get3A = arith.index_cast %scan3A_283 : i32 to index
        %get3A_284 = arith.constant 0 : index
        %get3A_285 = tpu.vector_load %arg6[%get3A, %get3A_284] {strides = array<i32>} : memref<56x128xf32, #tpu.memory_space<vmem>>, vector<1x16xf32>,
        %get3A_286 = vector.shape_cast %get3A_285 : vector<1x16xf32> to vector<16xf32>
        %swap3A = arith.index_cast %scan3A_283 : i32 to index
        %swap3A_287 = arith.constant 0 : index
        %swap3A_288 = tpu.vector_load %arg10[%swap3A, %swap3A_287] {strides = array<i32>} : memref<50x64xf32, #tpu.memory_space<vmem>>, vector<1x16xf32>,
        %swap3A_289 = vector.shape_cast %swap3A_288 : vector<1x16xf32> to vector<16xf32>
        %swap3A_290 = vector.shape_cast %get3A_286 : vector<16xf32> to vector<1x16xf32>
        tpu.vector_store %arg10[%swap3A, %swap3A_287], %swap3A_290 {strides = array<i32>} : memref<50x64xf32, #tpu.memory_space<vmem>>, vector<1x16xf32>,
        %get3A_291 = arith.index_cast %scan3A_283 : i32 to index
        %get3A_292 = arith.constant 16 : index
        %get3A_293 = tpu.vector_load %arg6[%get3A_291, %get3A_292] {strides = array<i32>} : memref<56x128xf32, #tpu.memory_space<vmem>>, vector<1x16xf32>,
        %get3A_294 = vector.shape_cast %get3A_293 : vector<1x16xf32> to vector<16xf32>
        %swap3A_295 = arith.index_cast %scan3A_283 : i32 to index
        %swap3A_296 = arith.constant 16 : index
        %swap3A_297 = tpu.vector_load %arg10[%swap3A_295, %swap3A_296] {strides = array<i32>} : memref<50x64xf32, #tpu.memory_space<vmem>>, vector<1x16xf32>,
        %swap3A_298 = vector.shape_cast %swap3A_297 : vector<1x16xf32> to vector<16xf32>
        %swap3A_299 = vector.shape_cast %get3A_294 : vector<16xf32> to vector<1x16xf32>
        tpu.vector_store %arg10[%swap3A_295, %swap3A_296], %swap3A_299 {strides = array<i32>} : memref<50x64xf32, #tpu.memory_space<vmem>>, vector<1x16xf32>,
        %get3A_300 = arith.index_cast %scan3A_283 : i32 to index
        %get3A_301 = arith.constant 32 : index
        %get3A_302 = tpu.vector_load %arg6[%get3A_300, %get3A_301] {strides = array<i32>} : memref<56x128xf32, #tpu.memory_space<vmem>>, vector<1x16xf32>,
        %get3A_303 = vector.shape_cast %get3A_302 : vector<1x16xf32> to vector<16xf32>
        %swap3A_304 = arith.index_cast %scan3A_283 : i32 to index
        %swap3A_305 = arith.constant 32 : index
        %swap3A_306 = tpu.vector_load %arg10[%swap3A_304, %swap3A_305] {strides = array<i32>} : memref<50x64xf32, #tpu.memory_space<vmem>>, vector<1x16xf32>,
        %swap3A_307 = vector.shape_cast %swap3A_306 : vector<1x16xf32> to vector<16xf32>
        %swap3A_308 = vector.shape_cast %get3A_303 : vector<16xf32> to vector<1x16xf32>
        tpu.vector_store %arg10[%swap3A_304, %swap3A_305], %swap3A_308 {strides = array<i32>} : memref<50x64xf32, #tpu.memory_space<vmem>>, vector<1x16xf32>,
        %get3A_309 = arith.index_cast %scan3A_283 : i32 to index
        %get3A_310 = arith.constant 48 : index
        %get3A_311 = tpu.vector_load %arg6[%get3A_309, %get3A_310] {strides = array<i32>} : memref<56x128xf32, #tpu.memory_space<vmem>>, vector<1x16xf32>,
        %get3A_312 = vector.shape_cast %get3A_311 : vector<1x16xf32> to vector<16xf32>
        %swap3A_313 = arith.index_cast %scan3A_283 : i32 to index
        %swap3A_314 = arith.constant 48 : index
        %swap3A_315 = tpu.vector_load %arg10[%swap3A_313, %swap3A_314] {strides = array<i32>} : memref<50x64xf32, #tpu.memory_space<vmem>>, vector<1x16xf32>,
        %swap3A_316 = vector.shape_cast %swap3A_315 : vector<1x16xf32> to vector<16xf32>
        %swap3A_317 = vector.shape_cast %get3A_312 : vector<16xf32> to vector<1x16xf32>
        tpu.vector_store %arg10[%swap3A_313, %swap3A_314], %swap3A_317 {strides = array<i32>} : memref<50x64xf32, #tpu.memory_space<vmem>>, vector<1x16xf32>,
      }
      %scan3A_122 = arith.constant 50 : i32
      %add3A_123 = arith.constant 0 : i32
      %add3A_124 = arith.addi %mul3A_106, %add3A_123 : i32
      %add3A_125 = arith.constant 4 : i32
      %add3A_126 = arith.addi %add3A_124, %add3A_125 : i32
      %rem3A = arith.constant 512 : i32
      %rem3A_127 = arith.remsi %add3A_126, %rem3A : i32
      %mul3A_128 = arith.constant 56 : i32
      %mul3A_129 = arith.muli %rem3A_127, %mul3A_128 : i32
      %dma_start3A_130 = arith.constant 0 : i32
      %dma_start3A_131 = arith.constant 0 : i32
      %dma_start3A_132 = tpu.memref_slice %arg6[%dma_start3A_130, %dma_start3A_131] : memref<56x128xf32, #tpu.memory_space<vmem>> -> memref<50x128xf32, #tpu.memory_space<vmem>>
      %dma_start3A_133 = tpu.memref_slice %arg5[%mul3A_129] : memref<28672xi32, #tpu.memory_space<vmem>> -> memref<50xi32, #tpu.memory_space<vmem>>
      %dma_start3A_134 = arith.constant 0 : i32
      %dma_start3A_135 = arith.constant 0 : i32
      %dma_start3A_136 = tpu.memref_slice %arg3[%dma_start3A_134, %dma_start3A_135] : memref<1000000x128xf32, #tpu.memory_space<hbm>> -> memref<1000000x128xf32, #tpu.memory_space<hbm>>
      tpu.enqueue_indirect_dma source(%dma_start3A_136 : memref<1000000x128xf32, #tpu.memory_space<hbm>>) target(%dma_start3A_132 : memref<50x128xf32, #tpu.memory_space<vmem>>) offsets(%dma_start3A_133 : memref<50xi32, #tpu.memory_space<vmem>>) semaphore(%arg14 : memref<!tpu.dma_semaphore, #tpu.memory_space<semaphore_mem>>)
      %add3A_137 = arith.constant 0 : i32
      %add3A_138 = arith.addi %mul3A_106, %add3A_137 : i32
      %add3A_139 = arith.addi %mul3A_2, %add3A_138 : i32
      %dma_start3A_140 = arith.constant 0 : i32
      %dma_start3A_141 = arith.constant 0 : i32
      %dma_start3A_142 = tpu.memref_slice %arg4[%add3A_139, %dma_start3A_140, %dma_start3A_141] : memref<16384x50x64xf32, #tpu.memory_space<hbm>> -> memref<1x50x64xf32, #tpu.memory_space<hbm>>
      %dma_start3A_143 = tpu.memref_squeeze %dma_start3A_142 : memref<1x50x64xf32, #tpu.memory_space<hbm>> -> memref<50x64xf32, #tpu.memory_space<hbm>>
      %dma_start3A_144 = arith.constant 0 : i32
      %dma_start3A_145 = arith.constant 0 : i32
      %dma_start3A_146 = tpu.memref_slice %arg4[%add3A_139, %dma_start3A_144, %dma_start3A_145] : memref<16384x50x64xf32, #tpu.memory_space<hbm>> -> memref<1x50x64xf32, #tpu.memory_space<hbm>>
      %dma_start3A_147 = tpu.memref_squeeze %dma_start3A_146 : memref<1x50x64xf32, #tpu.memory_space<hbm>> -> memref<50x64xf32, #tpu.memory_space<hbm>>
      tpu.enqueue_dma source(%arg10 : memref<50x64xf32, #tpu.memory_space<vmem>>) target(%dma_start3A_147 : memref<50x64xf32, #tpu.memory_space<hbm>>) target_semaphore(%arg18 : memref<!tpu.dma_semaphore, #tpu.memory_space<semaphore_mem>>)
      %dma_wait3A_148 = arith.constant 0 : i32
      %dma_wait3A_149 = arith.constant 0 : i32
      %dma_wait3A_150 = tpu.memref_slice %arg7[%dma_wait3A_148, %dma_wait3A_149] : memref<56x128xf32, #tpu.memory_space<vmem>> -> memref<50x128xf32, #tpu.memory_space<vmem>>
      %dma_wait3A_151 = arith.constant 0 : i32
      %dma_wait3A_152 = tpu.memref_slice %arg5[%dma_wait3A_151] : memref<28672xi32, #tpu.memory_space<vmem>> -> memref<50xi32, #tpu.memory_space<vmem>>
      %dma_wait3A_153 = arith.constant 0 : i32
      %dma_wait3A_154 = arith.constant 0 : i32
      %dma_wait3A_155 = tpu.memref_slice %arg3[%dma_wait3A_153, %dma_wait3A_154] : memref<1000000x128xf32, #tpu.memory_space<hbm>> -> memref<1000000x128xf32, #tpu.memory_space<hbm>>
      tpu.wait_indirect_dma semaphore(%arg15 : memref<!tpu.dma_semaphore, #tpu.memory_space<semaphore_mem>>) src(%dma_wait3A_155 : memref<1000000x128xf32, #tpu.memory_space<hbm>>) dst(%dma_wait3A_150 : memref<50x128xf32, #tpu.memory_space<vmem>>)
      %gt3A_156 = arith.constant 0 : i32
      %gt3A_157 = arith.cmpi sgt, %scan3A_104, %gt3A_156 : i32
      %convert_element_type3A_158 = arith.extui %gt3A_157 : i1 to i32
      %cond3A_159 = arith.constant 0 : i32
      %cond3A_160 = arith.cmpi ne, %convert_element_type3A_158, %cond3A_159 : i32
      scf.if %cond3A_160 {
        %dma_wait3A_283 = arith.constant 0 : i32
        %dma_wait3A_284 = arith.constant 0 : i32
        %dma_wait3A_285 = tpu.memref_slice %arg4[%mul3A_2, %dma_wait3A_283, %dma_wait3A_284] : memref<16384x50x64xf32, #tpu.memory_space<hbm>> -> memref<1x50x64xf32, #tpu.memory_space<hbm>>
        %dma_wait3A_286 = tpu.memref_squeeze %dma_wait3A_285 : memref<1x50x64xf32, #tpu.memory_space<hbm>> -> memref<50x64xf32, #tpu.memory_space<hbm>>
        %dma_wait3A_287 = arith.constant 0 : i32
        %dma_wait3A_288 = arith.constant 0 : i32
        %dma_wait3A_289 = tpu.memref_slice %arg4[%mul3A_2, %dma_wait3A_287, %dma_wait3A_288] : memref<16384x50x64xf32, #tpu.memory_space<hbm>> -> memref<1x50x64xf32, #tpu.memory_space<hbm>>
        %dma_wait3A_290 = tpu.memref_squeeze %dma_wait3A_289 : memref<1x50x64xf32, #tpu.memory_space<hbm>> -> memref<50x64xf32, #tpu.memory_space<hbm>>
        tpu.wait_dma2 semaphore(%arg19 : memref<!tpu.dma_semaphore, #tpu.memory_space<semaphore_mem>>) src(%arg11 : memref<50x64xf32, #tpu.memory_space<vmem>>) dst(%dma_wait3A_290 : memref<50x64xf32, #tpu.memory_space<hbm>>)
      } else {
      }
      %scan3A_161 = arith.constant 0 : i32
      %scan3A_162 = arith.constant 0 : i32
      %scan3A_163 = arith.constant 50 : i32
      %scan3A_164 = arith.addi %scan3A_162, %scan3A_163 : i32
      %scan3A_165 = arith.constant 1 : i32
      scf.for %scan3A_283 = %scan3A_162 to %scan3A_164 step %scan3A_165  : i32 {
        %get3A = arith.index_cast %scan3A_283 : i32 to index
        %get3A_284 = arith.constant 0 : index
        %get3A_285 = tpu.vector_load %arg7[%get3A, %get3A_284] {strides = array<i32>} : memref<56x128xf32, #tpu.memory_space<vmem>>, vector<1x16xf32>,
        %get3A_286 = vector.shape_cast %get3A_285 : vector<1x16xf32> to vector<16xf32>
        %swap3A = arith.index_cast %scan3A_283 : i32 to index
        %swap3A_287 = arith.constant 0 : index
        %swap3A_288 = tpu.vector_load %arg11[%swap3A, %swap3A_287] {strides = array<i32>} : memref<50x64xf32, #tpu.memory_space<vmem>>, vector<1x16xf32>,
        %swap3A_289 = vector.shape_cast %swap3A_288 : vector<1x16xf32> to vector<16xf32>
        %swap3A_290 = vector.shape_cast %get3A_286 : vector<16xf32> to vector<1x16xf32>
        tpu.vector_store %arg11[%swap3A, %swap3A_287], %swap3A_290 {strides = array<i32>} : memref<50x64xf32, #tpu.memory_space<vmem>>, vector<1x16xf32>,
        %get3A_291 = arith.index_cast %scan3A_283 : i32 to index
        %get3A_292 = arith.constant 16 : index
        %get3A_293 = tpu.vector_load %arg7[%get3A_291, %get3A_292] {strides = array<i32>} : memref<56x128xf32, #tpu.memory_space<vmem>>, vector<1x16xf32>,
        %get3A_294 = vector.shape_cast %get3A_293 : vector<1x16xf32> to vector<16xf32>
        %swap3A_295 = arith.index_cast %scan3A_283 : i32 to index
        %swap3A_296 = arith.constant 16 : index
        %swap3A_297 = tpu.vector_load %arg11[%swap3A_295, %swap3A_296] {strides = array<i32>} : memref<50x64xf32, #tpu.memory_space<vmem>>, vector<1x16xf32>,
        %swap3A_298 = vector.shape_cast %swap3A_297 : vector<1x16xf32> to vector<16xf32>
        %swap3A_299 = vector.shape_cast %get3A_294 : vector<16xf32> to vector<1x16xf32>
        tpu.vector_store %arg11[%swap3A_295, %swap3A_296], %swap3A_299 {strides = array<i32>} : memref<50x64xf32, #tpu.memory_space<vmem>>, vector<1x16xf32>,
        %get3A_300 = arith.index_cast %scan3A_283 : i32 to index
        %get3A_301 = arith.constant 32 : index
        %get3A_302 = tpu.vector_load %arg7[%get3A_300, %get3A_301] {strides = array<i32>} : memref<56x128xf32, #tpu.memory_space<vmem>>, vector<1x16xf32>,
        %get3A_303 = vector.shape_cast %get3A_302 : vector<1x16xf32> to vector<16xf32>
        %swap3A_304 = arith.index_cast %scan3A_283 : i32 to index
        %swap3A_305 = arith.constant 32 : index
        %swap3A_306 = tpu.vector_load %arg11[%swap3A_304, %swap3A_305] {strides = array<i32>} : memref<50x64xf32, #tpu.memory_space<vmem>>, vector<1x16xf32>,
        %swap3A_307 = vector.shape_cast %swap3A_306 : vector<1x16xf32> to vector<16xf32>
        %swap3A_308 = vector.shape_cast %get3A_303 : vector<16xf32> to vector<1x16xf32>
        tpu.vector_store %arg11[%swap3A_304, %swap3A_305], %swap3A_308 {strides = array<i32>} : memref<50x64xf32, #tpu.memory_space<vmem>>, vector<1x16xf32>,
        %get3A_309 = arith.index_cast %scan3A_283 : i32 to index
        %get3A_310 = arith.constant 48 : index
        %get3A_311 = tpu.vector_load %arg7[%get3A_309, %get3A_310] {strides = array<i32>} : memref<56x128xf32, #tpu.memory_space<vmem>>, vector<1x16xf32>,
        %get3A_312 = vector.shape_cast %get3A_311 : vector<1x16xf32> to vector<16xf32>
        %swap3A_313 = arith.index_cast %scan3A_283 : i32 to index
        %swap3A_314 = arith.constant 48 : index
        %swap3A_315 = tpu.vector_load %arg11[%swap3A_313, %swap3A_314] {strides = array<i32>} : memref<50x64xf32, #tpu.memory_space<vmem>>, vector<1x16xf32>,
        %swap3A_316 = vector.shape_cast %swap3A_315 : vector<1x16xf32> to vector<16xf32>
        %swap3A_317 = vector.shape_cast %get3A_312 : vector<16xf32> to vector<1x16xf32>
        tpu.vector_store %arg11[%swap3A_313, %swap3A_314], %swap3A_317 {strides = array<i32>} : memref<50x64xf32, #tpu.memory_space<vmem>>, vector<1x16xf32>,
      }
      %scan3A_166 = arith.constant 50 : i32
      %add3A_167 = arith.constant 1 : i32
      %add3A_168 = arith.addi %mul3A_106, %add3A_167 : i32
      %add3A_169 = arith.constant 4 : i32
      %add3A_170 = arith.addi %add3A_168, %add3A_169 : i32
      %rem3A_171 = arith.constant 512 : i32
      %rem3A_172 = arith.remsi %add3A_170, %rem3A_171 : i32
      %mul3A_173 = arith.constant 56 : i32
      %mul3A_174 = arith.muli %rem3A_172, %mul3A_173 : i32
      %dma_start3A_175 = arith.constant 0 : i32
      %dma_start3A_176 = arith.constant 0 : i32
      %dma_start3A_177 = tpu.memref_slice %arg7[%dma_start3A_175, %dma_start3A_176] : memref<56x128xf32, #tpu.memory_space<vmem>> -> memref<50x128xf32, #tpu.memory_space<vmem>>
      %dma_start3A_178 = tpu.memref_slice %arg5[%mul3A_174] : memref<28672xi32, #tpu.memory_space<vmem>> -> memref<50xi32, #tpu.memory_space<vmem>>
      %dma_start3A_179 = arith.constant 0 : i32
      %dma_start3A_180 = arith.constant 0 : i32
      %dma_start3A_181 = tpu.memref_slice %arg3[%dma_start3A_179, %dma_start3A_180] : memref<1000000x128xf32, #tpu.memory_space<hbm>> -> memref<1000000x128xf32, #tpu.memory_space<hbm>>
      tpu.enqueue_indirect_dma source(%dma_start3A_181 : memref<1000000x128xf32, #tpu.memory_space<hbm>>) target(%dma_start3A_177 : memref<50x128xf32, #tpu.memory_space<vmem>>) offsets(%dma_start3A_178 : memref<50xi32, #tpu.memory_space<vmem>>) semaphore(%arg15 : memref<!tpu.dma_semaphore, #tpu.memory_space<semaphore_mem>>)
      %add3A_182 = arith.constant 1 : i32
      %add3A_183 = arith.addi %mul3A_106, %add3A_182 : i32
      %add3A_184 = arith.addi %mul3A_2, %add3A_183 : i32
      %dma_start3A_185 = arith.constant 0 : i32
      %dma_start3A_186 = arith.constant 0 : i32
      %dma_start3A_187 = tpu.memref_slice %arg4[%add3A_184, %dma_start3A_185, %dma_start3A_186] : memref<16384x50x64xf32, #tpu.memory_space<hbm>> -> memref<1x50x64xf32, #tpu.memory_space<hbm>>
      %dma_start3A_188 = tpu.memref_squeeze %dma_start3A_187 : memref<1x50x64xf32, #tpu.memory_space<hbm>> -> memref<50x64xf32, #tpu.memory_space<hbm>>
      %dma_start3A_189 = arith.constant 0 : i32
      %dma_start3A_190 = arith.constant 0 : i32
      %dma_start3A_191 = tpu.memref_slice %arg4[%add3A_184, %dma_start3A_189, %dma_start3A_190] : memref<16384x50x64xf32, #tpu.memory_space<hbm>> -> memref<1x50x64xf32, #tpu.memory_space<hbm>>
      %dma_start3A_192 = tpu.memref_squeeze %dma_start3A_191 : memref<1x50x64xf32, #tpu.memory_space<hbm>> -> memref<50x64xf32, #tpu.memory_space<hbm>>
      tpu.enqueue_dma source(%arg11 : memref<50x64xf32, #tpu.memory_space<vmem>>) target(%dma_start3A_192 : memref<50x64xf32, #tpu.memory_space<hbm>>) target_semaphore(%arg19 : memref<!tpu.dma_semaphore, #tpu.memory_space<semaphore_mem>>)
      %dma_wait3A_193 = arith.constant 0 : i32
      %dma_wait3A_194 = arith.constant 0 : i32
      %dma_wait3A_195 = tpu.memref_slice %arg8[%dma_wait3A_193, %dma_wait3A_194] : memref<56x128xf32, #tpu.memory_space<vmem>> -> memref<50x128xf32, #tpu.memory_space<vmem>>
      %dma_wait3A_196 = arith.constant 0 : i32
      %dma_wait3A_197 = tpu.memref_slice %arg5[%dma_wait3A_196] : memref<28672xi32, #tpu.memory_space<vmem>> -> memref<50xi32, #tpu.memory_space<vmem>>
      %dma_wait3A_198 = arith.constant 0 : i32
      %dma_wait3A_199 = arith.constant 0 : i32
      %dma_wait3A_200 = tpu.memref_slice %arg3[%dma_wait3A_198, %dma_wait3A_199] : memref<1000000x128xf32, #tpu.memory_space<hbm>> -> memref<1000000x128xf32, #tpu.memory_space<hbm>>
      tpu.wait_indirect_dma semaphore(%arg16 : memref<!tpu.dma_semaphore, #tpu.memory_space<semaphore_mem>>) src(%dma_wait3A_200 : memref<1000000x128xf32, #tpu.memory_space<hbm>>) dst(%dma_wait3A_195 : memref<50x128xf32, #tpu.memory_space<vmem>>)
      %gt3A_201 = arith.constant 0 : i32
      %gt3A_202 = arith.cmpi sgt, %scan3A_104, %gt3A_201 : i32
      %convert_element_type3A_203 = arith.extui %gt3A_202 : i1 to i32
      %cond3A_204 = arith.constant 0 : i32
      %cond3A_205 = arith.cmpi ne, %convert_element_type3A_203, %cond3A_204 : i32
      scf.if %cond3A_205 {
        %dma_wait3A_283 = arith.constant 0 : i32
        %dma_wait3A_284 = arith.constant 0 : i32
        %dma_wait3A_285 = tpu.memref_slice %arg4[%mul3A_2, %dma_wait3A_283, %dma_wait3A_284] : memref<16384x50x64xf32, #tpu.memory_space<hbm>> -> memref<1x50x64xf32, #tpu.memory_space<hbm>>
        %dma_wait3A_286 = tpu.memref_squeeze %dma_wait3A_285 : memref<1x50x64xf32, #tpu.memory_space<hbm>> -> memref<50x64xf32, #tpu.memory_space<hbm>>
        %dma_wait3A_287 = arith.constant 0 : i32
        %dma_wait3A_288 = arith.constant 0 : i32
        %dma_wait3A_289 = tpu.memref_slice %arg4[%mul3A_2, %dma_wait3A_287, %dma_wait3A_288] : memref<16384x50x64xf32, #tpu.memory_space<hbm>> -> memref<1x50x64xf32, #tpu.memory_space<hbm>>
        %dma_wait3A_290 = tpu.memref_squeeze %dma_wait3A_289 : memref<1x50x64xf32, #tpu.memory_space<hbm>> -> memref<50x64xf32, #tpu.memory_space<hbm>>
        tpu.wait_dma2 semaphore(%arg20 : memref<!tpu.dma_semaphore, #tpu.memory_space<semaphore_mem>>) src(%arg12 : memref<50x64xf32, #tpu.memory_space<vmem>>) dst(%dma_wait3A_290 : memref<50x64xf32, #tpu.memory_space<hbm>>)
      } else {
      }
      %scan3A_206 = arith.constant 0 : i32
      %scan3A_207 = arith.constant 0 : i32
      %scan3A_208 = arith.constant 50 : i32
      %scan3A_209 = arith.addi %scan3A_207, %scan3A_208 : i32
      %scan3A_210 = arith.constant 1 : i32
      scf.for %scan3A_283 = %scan3A_207 to %scan3A_209 step %scan3A_210  : i32 {
        %get3A = arith.index_cast %scan3A_283 : i32 to index
        %get3A_284 = arith.constant 0 : index
        %get3A_285 = tpu.vector_load %arg8[%get3A, %get3A_284] {strides = array<i32>} : memref<56x128xf32, #tpu.memory_space<vmem>>, vector<1x16xf32>,
        %get3A_286 = vector.shape_cast %get3A_285 : vector<1x16xf32> to vector<16xf32>
        %swap3A = arith.index_cast %scan3A_283 : i32 to index
        %swap3A_287 = arith.constant 0 : index
        %swap3A_288 = tpu.vector_load %arg12[%swap3A, %swap3A_287] {strides = array<i32>} : memref<50x64xf32, #tpu.memory_space<vmem>>, vector<1x16xf32>,
        %swap3A_289 = vector.shape_cast %swap3A_288 : vector<1x16xf32> to vector<16xf32>
        %swap3A_290 = vector.shape_cast %get3A_286 : vector<16xf32> to vector<1x16xf32>
        tpu.vector_store %arg12[%swap3A, %swap3A_287], %swap3A_290 {strides = array<i32>} : memref<50x64xf32, #tpu.memory_space<vmem>>, vector<1x16xf32>,
        %get3A_291 = arith.index_cast %scan3A_283 : i32 to index
        %get3A_292 = arith.constant 16 : index
        %get3A_293 = tpu.vector_load %arg8[%get3A_291, %get3A_292] {strides = array<i32>} : memref<56x128xf32, #tpu.memory_space<vmem>>, vector<1x16xf32>,
        %get3A_294 = vector.shape_cast %get3A_293 : vector<1x16xf32> to vector<16xf32>
        %swap3A_295 = arith.index_cast %scan3A_283 : i32 to index
        %swap3A_296 = arith.constant 16 : index
        %swap3A_297 = tpu.vector_load %arg12[%swap3A_295, %swap3A_296] {strides = array<i32>} : memref<50x64xf32, #tpu.memory_space<vmem>>, vector<1x16xf32>,
        %swap3A_298 = vector.shape_cast %swap3A_297 : vector<1x16xf32> to vector<16xf32>
        %swap3A_299 = vector.shape_cast %get3A_294 : vector<16xf32> to vector<1x16xf32>
        tpu.vector_store %arg12[%swap3A_295, %swap3A_296], %swap3A_299 {strides = array<i32>} : memref<50x64xf32, #tpu.memory_space<vmem>>, vector<1x16xf32>,
        %get3A_300 = arith.index_cast %scan3A_283 : i32 to index
        %get3A_301 = arith.constant 32 : index
        %get3A_302 = tpu.vector_load %arg8[%get3A_300, %get3A_301] {strides = array<i32>} : memref<56x128xf32, #tpu.memory_space<vmem>>, vector<1x16xf32>,
        %get3A_303 = vector.shape_cast %get3A_302 : vector<1x16xf32> to vector<16xf32>
        %swap3A_304 = arith.index_cast %scan3A_283 : i32 to index
        %swap3A_305 = arith.constant 32 : index
        %swap3A_306 = tpu.vector_load %arg12[%swap3A_304, %swap3A_305] {strides = array<i32>} : memref<50x64xf32, #tpu.memory_space<vmem>>, vector<1x16xf32>,
        %swap3A_307 = vector.shape_cast %swap3A_306 : vector<1x16xf32> to vector<16xf32>
        %swap3A_308 = vector.shape_cast %get3A_303 : vector<16xf32> to vector<1x16xf32>
        tpu.vector_store %arg12[%swap3A_304, %swap3A_305], %swap3A_308 {strides = array<i32>} : memref<50x64xf32, #tpu.memory_space<vmem>>, vector<1x16xf32>,
        %get3A_309 = arith.index_cast %scan3A_283 : i32 to index
        %get3A_310 = arith.constant 48 : index
        %get3A_311 = tpu.vector_load %arg8[%get3A_309, %get3A_310] {strides = array<i32>} : memref<56x128xf32, #tpu.memory_space<vmem>>, vector<1x16xf32>,
        %get3A_312 = vector.shape_cast %get3A_311 : vector<1x16xf32> to vector<16xf32>
        %swap3A_313 = arith.index_cast %scan3A_283 : i32 to index
        %swap3A_314 = arith.constant 48 : index
        %swap3A_315 = tpu.vector_load %arg12[%swap3A_313, %swap3A_314] {strides = array<i32>} : memref<50x64xf32, #tpu.memory_space<vmem>>, vector<1x16xf32>,
        %swap3A_316 = vector.shape_cast %swap3A_315 : vector<1x16xf32> to vector<16xf32>
        %swap3A_317 = vector.shape_cast %get3A_312 : vector<16xf32> to vector<1x16xf32>
        tpu.vector_store %arg12[%swap3A_313, %swap3A_314], %swap3A_317 {strides = array<i32>} : memref<50x64xf32, #tpu.memory_space<vmem>>, vector<1x16xf32>,
      }
      %scan3A_211 = arith.constant 50 : i32
      %add3A_212 = arith.constant 2 : i32
      %add3A_213 = arith.addi %mul3A_106, %add3A_212 : i32
      %add3A_214 = arith.constant 4 : i32
      %add3A_215 = arith.addi %add3A_213, %add3A_214 : i32
      %rem3A_216 = arith.constant 512 : i32
      %rem3A_217 = arith.remsi %add3A_215, %rem3A_216 : i32
      %mul3A_218 = arith.constant 56 : i32
      %mul3A_219 = arith.muli %rem3A_217, %mul3A_218 : i32
      %dma_start3A_220 = arith.constant 0 : i32
      %dma_start3A_221 = arith.constant 0 : i32
      %dma_start3A_222 = tpu.memref_slice %arg8[%dma_start3A_220, %dma_start3A_221] : memref<56x128xf32, #tpu.memory_space<vmem>> -> memref<50x128xf32, #tpu.memory_space<vmem>>
      %dma_start3A_223 = tpu.memref_slice %arg5[%mul3A_219] : memref<28672xi32, #tpu.memory_space<vmem>> -> memref<50xi32, #tpu.memory_space<vmem>>
      %dma_start3A_224 = arith.constant 0 : i32
      %dma_start3A_225 = arith.constant 0 : i32
      %dma_start3A_226 = tpu.memref_slice %arg3[%dma_start3A_224, %dma_start3A_225] : memref<1000000x128xf32, #tpu.memory_space<hbm>> -> memref<1000000x128xf32, #tpu.memory_space<hbm>>
      tpu.enqueue_indirect_dma source(%dma_start3A_226 : memref<1000000x128xf32, #tpu.memory_space<hbm>>) target(%dma_start3A_222 : memref<50x128xf32, #tpu.memory_space<vmem>>) offsets(%dma_start3A_223 : memref<50xi32, #tpu.memory_space<vmem>>) semaphore(%arg16 : memref<!tpu.dma_semaphore, #tpu.memory_space<semaphore_mem>>)
      %add3A_227 = arith.constant 2 : i32
      %add3A_228 = arith.addi %mul3A_106, %add3A_227 : i32
      %add3A_229 = arith.addi %mul3A_2, %add3A_228 : i32
      %dma_start3A_230 = arith.constant 0 : i32
      %dma_start3A_231 = arith.constant 0 : i32
      %dma_start3A_232 = tpu.memref_slice %arg4[%add3A_229, %dma_start3A_230, %dma_start3A_231] : memref<16384x50x64xf32, #tpu.memory_space<hbm>> -> memref<1x50x64xf32, #tpu.memory_space<hbm>>
      %dma_start3A_233 = tpu.memref_squeeze %dma_start3A_232 : memref<1x50x64xf32, #tpu.memory_space<hbm>> -> memref<50x64xf32, #tpu.memory_space<hbm>>
      %dma_start3A_234 = arith.constant 0 : i32
      %dma_start3A_235 = arith.constant 0 : i32
      %dma_start3A_236 = tpu.memref_slice %arg4[%add3A_229, %dma_start3A_234, %dma_start3A_235] : memref<16384x50x64xf32, #tpu.memory_space<hbm>> -> memref<1x50x64xf32, #tpu.memory_space<hbm>>
      %dma_start3A_237 = tpu.memref_squeeze %dma_start3A_236 : memref<1x50x64xf32, #tpu.memory_space<hbm>> -> memref<50x64xf32, #tpu.memory_space<hbm>>
      tpu.enqueue_dma source(%arg12 : memref<50x64xf32, #tpu.memory_space<vmem>>) target(%dma_start3A_237 : memref<50x64xf32, #tpu.memory_space<hbm>>) target_semaphore(%arg20 : memref<!tpu.dma_semaphore, #tpu.memory_space<semaphore_mem>>)
      %dma_wait3A_238 = arith.constant 0 : i32
      %dma_wait3A_239 = arith.constant 0 : i32
      %dma_wait3A_240 = tpu.memref_slice %arg9[%dma_wait3A_238, %dma_wait3A_239] : memref<56x128xf32, #tpu.memory_space<vmem>> -> memref<50x128xf32, #tpu.memory_space<vmem>>
      %dma_wait3A_241 = arith.constant 0 : i32
      %dma_wait3A_242 = tpu.memref_slice %arg5[%dma_wait3A_241] : memref<28672xi32, #tpu.memory_space<vmem>> -> memref<50xi32, #tpu.memory_space<vmem>>
      %dma_wait3A_243 = arith.constant 0 : i32
      %dma_wait3A_244 = arith.constant 0 : i32
      %dma_wait3A_245 = tpu.memref_slice %arg3[%dma_wait3A_243, %dma_wait3A_244] : memref<1000000x128xf32, #tpu.memory_space<hbm>> -> memref<1000000x128xf32, #tpu.memory_space<hbm>>
      tpu.wait_indirect_dma semaphore(%arg17 : memref<!tpu.dma_semaphore, #tpu.memory_space<semaphore_mem>>) src(%dma_wait3A_245 : memref<1000000x128xf32, #tpu.memory_space<hbm>>) dst(%dma_wait3A_240 : memref<50x128xf32, #tpu.memory_space<vmem>>)
      %gt3A_246 = arith.constant 0 : i32
      %gt3A_247 = arith.cmpi sgt, %scan3A_104, %gt3A_246 : i32
      %convert_element_type3A_248 = arith.extui %gt3A_247 : i1 to i32
      %cond3A_249 = arith.constant 0 : i32
      %cond3A_250 = arith.cmpi ne, %convert_element_type3A_248, %cond3A_249 : i32
      scf.if %cond3A_250 {
        %dma_wait3A_283 = arith.constant 0 : i32
        %dma_wait3A_284 = arith.constant 0 : i32
        %dma_wait3A_285 = tpu.memref_slice %arg4[%mul3A_2, %dma_wait3A_283, %dma_wait3A_284] : memref<16384x50x64xf32, #tpu.memory_space<hbm>> -> memref<1x50x64xf32, #tpu.memory_space<hbm>>
        %dma_wait3A_286 = tpu.memref_squeeze %dma_wait3A_285 : memref<1x50x64xf32, #tpu.memory_space<hbm>> -> memref<50x64xf32, #tpu.memory_space<hbm>>
        %dma_wait3A_287 = arith.constant 0 : i32
        %dma_wait3A_288 = arith.constant 0 : i32
        %dma_wait3A_289 = tpu.memref_slice %arg4[%mul3A_2, %dma_wait3A_287, %dma_wait3A_288] : memref<16384x50x64xf32, #tpu.memory_space<hbm>> -> memref<1x50x64xf32, #tpu.memory_space<hbm>>
        %dma_wait3A_290 = tpu.memref_squeeze %dma_wait3A_289 : memref<1x50x64xf32, #tpu.memory_space<hbm>> -> memref<50x64xf32, #tpu.memory_space<hbm>>
        tpu.wait_dma2 semaphore(%arg21 : memref<!tpu.dma_semaphore, #tpu.memory_space<semaphore_mem>>) src(%arg13 : memref<50x64xf32, #tpu.memory_space<vmem>>) dst(%dma_wait3A_290 : memref<50x64xf32, #tpu.memory_space<hbm>>)
      } else {
      }
      %scan3A_251 = arith.constant 0 : i32
      %scan3A_252 = arith.constant 0 : i32
      %scan3A_253 = arith.constant 50 : i32
      %scan3A_254 = arith.addi %scan3A_252, %scan3A_253 : i32
      %scan3A_255 = arith.constant 1 : i32
      scf.for %scan3A_283 = %scan3A_252 to %scan3A_254 step %scan3A_255  : i32 {
        %get3A = arith.index_cast %scan3A_283 : i32 to index
        %get3A_284 = arith.constant 0 : index
        %get3A_285 = tpu.vector_load %arg9[%get3A, %get3A_284] {strides = array<i32>} : memref<56x128xf32, #tpu.memory_space<vmem>>, vector<1x16xf32>,
        %get3A_286 = vector.shape_cast %get3A_285 : vector<1x16xf32> to vector<16xf32>
        %swap3A = arith.index_cast %scan3A_283 : i32 to index
        %swap3A_287 = arith.constant 0 : index
        %swap3A_288 = tpu.vector_load %arg13[%swap3A, %swap3A_287] {strides = array<i32>} : memref<50x64xf32, #tpu.memory_space<vmem>>, vector<1x16xf32>,
        %swap3A_289 = vector.shape_cast %swap3A_288 : vector<1x16xf32> to vector<16xf32>
        %swap3A_290 = vector.shape_cast %get3A_286 : vector<16xf32> to vector<1x16xf32>
        tpu.vector_store %arg13[%swap3A, %swap3A_287], %swap3A_290 {strides = array<i32>} : memref<50x64xf32, #tpu.memory_space<vmem>>, vector<1x16xf32>,
        %get3A_291 = arith.index_cast %scan3A_283 : i32 to index
        %get3A_292 = arith.constant 16 : index
        %get3A_293 = tpu.vector_load %arg9[%get3A_291, %get3A_292] {strides = array<i32>} : memref<56x128xf32, #tpu.memory_space<vmem>>, vector<1x16xf32>,
        %get3A_294 = vector.shape_cast %get3A_293 : vector<1x16xf32> to vector<16xf32>
        %swap3A_295 = arith.index_cast %scan3A_283 : i32 to index
        %swap3A_296 = arith.constant 16 : index
        %swap3A_297 = tpu.vector_load %arg13[%swap3A_295, %swap3A_296] {strides = array<i32>} : memref<50x64xf32, #tpu.memory_space<vmem>>, vector<1x16xf32>,
        %swap3A_298 = vector.shape_cast %swap3A_297 : vector<1x16xf32> to vector<16xf32>
        %swap3A_299 = vector.shape_cast %get3A_294 : vector<16xf32> to vector<1x16xf32>
        tpu.vector_store %arg13[%swap3A_295, %swap3A_296], %swap3A_299 {strides = array<i32>} : memref<50x64xf32, #tpu.memory_space<vmem>>, vector<1x16xf32>,
        %get3A_300 = arith.index_cast %scan3A_283 : i32 to index
        %get3A_301 = arith.constant 32 : index
        %get3A_302 = tpu.vector_load %arg9[%get3A_300, %get3A_301] {strides = array<i32>} : memref<56x128xf32, #tpu.memory_space<vmem>>, vector<1x16xf32>,
        %get3A_303 = vector.shape_cast %get3A_302 : vector<1x16xf32> to vector<16xf32>
        %swap3A_304 = arith.index_cast %scan3A_283 : i32 to index
        %swap3A_305 = arith.constant 32 : index
        %swap3A_306 = tpu.vector_load %arg13[%swap3A_304, %swap3A_305] {strides = array<i32>} : memref<50x64xf32, #tpu.memory_space<vmem>>, vector<1x16xf32>,
        %swap3A_307 = vector.shape_cast %swap3A_306 : vector<1x16xf32> to vector<16xf32>
        %swap3A_308 = vector.shape_cast %get3A_303 : vector<16xf32> to vector<1x16xf32>
        tpu.vector_store %arg13[%swap3A_304, %swap3A_305], %swap3A_308 {strides = array<i32>} : memref<50x64xf32, #tpu.memory_space<vmem>>, vector<1x16xf32>,
        %get3A_309 = arith.index_cast %scan3A_283 : i32 to index
        %get3A_310 = arith.constant 48 : index
        %get3A_311 = tpu.vector_load %arg9[%get3A_309, %get3A_310] {strides = array<i32>} : memref<56x128xf32, #tpu.memory_space<vmem>>, vector<1x16xf32>,
        %get3A_312 = vector.shape_cast %get3A_311 : vector<1x16xf32> to vector<16xf32>
        %swap3A_313 = arith.index_cast %scan3A_283 : i32 to index
        %swap3A_314 = arith.constant 48 : index
        %swap3A_315 = tpu.vector_load %arg13[%swap3A_313, %swap3A_314] {strides = array<i32>} : memref<50x64xf32, #tpu.memory_space<vmem>>, vector<1x16xf32>,
        %swap3A_316 = vector.shape_cast %swap3A_315 : vector<1x16xf32> to vector<16xf32>
        %swap3A_317 = vector.shape_cast %get3A_312 : vector<16xf32> to vector<1x16xf32>
        tpu.vector_store %arg13[%swap3A_313, %swap3A_314], %swap3A_317 {strides = array<i32>} : memref<50x64xf32, #tpu.memory_space<vmem>>, vector<1x16xf32>,
      }
      %scan3A_256 = arith.constant 50 : i32
      %add3A_257 = arith.constant 3 : i32
      %add3A_258 = arith.addi %mul3A_106, %add3A_257 : i32
      %add3A_259 = arith.constant 4 : i32
      %add3A_260 = arith.addi %add3A_258, %add3A_259 : i32
      %rem3A_261 = arith.constant 512 : i32
      %rem3A_262 = arith.remsi %add3A_260, %rem3A_261 : i32
      %mul3A_263 = arith.constant 56 : i32
      %mul3A_264 = arith.muli %rem3A_262, %mul3A_263 : i32
      %dma_start3A_265 = arith.constant 0 : i32
      %dma_start3A_266 = arith.constant 0 : i32
      %dma_start3A_267 = tpu.memref_slice %arg9[%dma_start3A_265, %dma_start3A_266] : memref<56x128xf32, #tpu.memory_space<vmem>> -> memref<50x128xf32, #tpu.memory_space<vmem>>
      %dma_start3A_268 = tpu.memref_slice %arg5[%mul3A_264] : memref<28672xi32, #tpu.memory_space<vmem>> -> memref<50xi32, #tpu.memory_space<vmem>>
      %dma_start3A_269 = arith.constant 0 : i32
      %dma_start3A_270 = arith.constant 0 : i32
      %dma_start3A_271 = tpu.memref_slice %arg3[%dma_start3A_269, %dma_start3A_270] : memref<1000000x128xf32, #tpu.memory_space<hbm>> -> memref<1000000x128xf32, #tpu.memory_space<hbm>>
      tpu.enqueue_indirect_dma source(%dma_start3A_271 : memref<1000000x128xf32, #tpu.memory_space<hbm>>) target(%dma_start3A_267 : memref<50x128xf32, #tpu.memory_space<vmem>>) offsets(%dma_start3A_268 : memref<50xi32, #tpu.memory_space<vmem>>) semaphore(%arg17 : memref<!tpu.dma_semaphore, #tpu.memory_space<semaphore_mem>>)
      %add3A_272 = arith.constant 3 : i32
      %add3A_273 = arith.addi %mul3A_106, %add3A_272 : i32
      %add3A_274 = arith.addi %mul3A_2, %add3A_273 : i32
      %dma_start3A_275 = arith.constant 0 : i32
      %dma_start3A_276 = arith.constant 0 : i32
      %dma_start3A_277 = tpu.memref_slice %arg4[%add3A_274, %dma_start3A_275, %dma_start3A_276] : memref<16384x50x64xf32, #tpu.memory_space<hbm>> -> memref<1x50x64xf32, #tpu.memory_space<hbm>>
      %dma_start3A_278 = tpu.memref_squeeze %dma_start3A_277 : memref<1x50x64xf32, #tpu.memory_space<hbm>> -> memref<50x64xf32, #tpu.memory_space<hbm>>
      %dma_start3A_279 = arith.constant 0 : i32
      %dma_start3A_280 = arith.constant 0 : i32
      %dma_start3A_281 = tpu.memref_slice %arg4[%add3A_274, %dma_start3A_279, %dma_start3A_280] : memref<16384x50x64xf32, #tpu.memory_space<hbm>> -> memref<1x50x64xf32, #tpu.memory_space<hbm>>
      %dma_start3A_282 = tpu.memref_squeeze %dma_start3A_281 : memref<1x50x64xf32, #tpu.memory_space<hbm>> -> memref<50x64xf32, #tpu.memory_space<hbm>>
      tpu.enqueue_dma source(%arg13 : memref<50x64xf32, #tpu.memory_space<vmem>>) target(%dma_start3A_282 : memref<50x64xf32, #tpu.memory_space<hbm>>) target_semaphore(%arg21 : memref<!tpu.dma_semaphore, #tpu.memory_space<semaphore_mem>>)
    }
    %scan3A_40 = arith.constant 128 : i32
    %dma_wait3A = arith.constant 0 : i32
    %dma_wait3A_41 = arith.constant 0 : i32
    %dma_wait3A_42 = tpu.memref_slice %arg6[%dma_wait3A, %dma_wait3A_41] : memref<56x128xf32, #tpu.memory_space<vmem>> -> memref<50x128xf32, #tpu.memory_space<vmem>>
    %dma_wait3A_43 = arith.constant 0 : i32
    %dma_wait3A_44 = tpu.memref_slice %arg5[%dma_wait3A_43] : memref<28672xi32, #tpu.memory_space<vmem>> -> memref<50xi32, #tpu.memory_space<vmem>>
    %dma_wait3A_45 = arith.constant 0 : i32
    %dma_wait3A_46 = arith.constant 0 : i32
    %dma_wait3A_47 = tpu.memref_slice %arg3[%dma_wait3A_45, %dma_wait3A_46] : memref<1000000x128xf32, #tpu.memory_space<hbm>> -> memref<1000000x128xf32, #tpu.memory_space<hbm>>
    tpu.wait_indirect_dma semaphore(%arg14 : memref<!tpu.dma_semaphore, #tpu.memory_space<semaphore_mem>>) src(%dma_wait3A_47 : memref<1000000x128xf32, #tpu.memory_space<hbm>>) dst(%dma_wait3A_42 : memref<50x128xf32, #tpu.memory_space<vmem>>)
    %dma_wait3A_48 = arith.constant 0 : i32
    %dma_wait3A_49 = arith.constant 0 : i32
    %dma_wait3A_50 = tpu.memref_slice %arg4[%mul3A_2, %dma_wait3A_48, %dma_wait3A_49] : memref<16384x50x64xf32, #tpu.memory_space<hbm>> -> memref<1x50x64xf32, #tpu.memory_space<hbm>>
    %dma_wait3A_51 = tpu.memref_squeeze %dma_wait3A_50 : memref<1x50x64xf32, #tpu.memory_space<hbm>> -> memref<50x64xf32, #tpu.memory_space<hbm>>
    %dma_wait3A_52 = arith.constant 0 : i32
    %dma_wait3A_53 = arith.constant 0 : i32
    %dma_wait3A_54 = tpu.memref_slice %arg4[%mul3A_2, %dma_wait3A_52, %dma_wait3A_53] : memref<16384x50x64xf32, #tpu.memory_space<hbm>> -> memref<1x50x64xf32, #tpu.memory_space<hbm>>
    %dma_wait3A_55 = tpu.memref_squeeze %dma_wait3A_54 : memref<1x50x64xf32, #tpu.memory_space<hbm>> -> memref<50x64xf32, #tpu.memory_space<hbm>>
    tpu.wait_dma2 semaphore(%arg18 : memref<!tpu.dma_semaphore, #tpu.memory_space<semaphore_mem>>) src(%arg10 : memref<50x64xf32, #tpu.memory_space<vmem>>) dst(%dma_wait3A_55 : memref<50x64xf32, #tpu.memory_space<hbm>>)
    %dma_wait3A_56 = arith.constant 0 : i32
    %dma_wait3A_57 = arith.constant 0 : i32
    %dma_wait3A_58 = tpu.memref_slice %arg7[%dma_wait3A_56, %dma_wait3A_57] : memref<56x128xf32, #tpu.memory_space<vmem>> -> memref<50x128xf32, #tpu.memory_space<vmem>>
    %dma_wait3A_59 = arith.constant 0 : i32
    %dma_wait3A_60 = tpu.memref_slice %arg5[%dma_wait3A_59] : memref<28672xi32, #tpu.memory_space<vmem>> -> memref<50xi32, #tpu.memory_space<vmem>>
    %dma_wait3A_61 = arith.constant 0 : i32
    %dma_wait3A_62 = arith.constant 0 : i32
    %dma_wait3A_63 = tpu.memref_slice %arg3[%dma_wait3A_61, %dma_wait3A_62] : memref<1000000x128xf32, #tpu.memory_space<hbm>> -> memref<1000000x128xf32, #tpu.memory_space<hbm>>
    tpu.wait_indirect_dma semaphore(%arg15 : memref<!tpu.dma_semaphore, #tpu.memory_space<semaphore_mem>>) src(%dma_wait3A_63 : memref<1000000x128xf32, #tpu.memory_space<hbm>>) dst(%dma_wait3A_58 : memref<50x128xf32, #tpu.memory_space<vmem>>)
    %dma_wait3A_64 = arith.constant 0 : i32
    %dma_wait3A_65 = arith.constant 0 : i32
    %dma_wait3A_66 = tpu.memref_slice %arg4[%mul3A_2, %dma_wait3A_64, %dma_wait3A_65] : memref<16384x50x64xf32, #tpu.memory_space<hbm>> -> memref<1x50x64xf32, #tpu.memory_space<hbm>>
    %dma_wait3A_67 = tpu.memref_squeeze %dma_wait3A_66 : memref<1x50x64xf32, #tpu.memory_space<hbm>> -> memref<50x64xf32, #tpu.memory_space<hbm>>
    %dma_wait3A_68 = arith.constant 0 : i32
    %dma_wait3A_69 = arith.constant 0 : i32
    %dma_wait3A_70 = tpu.memref_slice %arg4[%mul3A_2, %dma_wait3A_68, %dma_wait3A_69] : memref<16384x50x64xf32, #tpu.memory_space<hbm>> -> memref<1x50x64xf32, #tpu.memory_space<hbm>>
    %dma_wait3A_71 = tpu.memref_squeeze %dma_wait3A_70 : memref<1x50x64xf32, #tpu.memory_space<hbm>> -> memref<50x64xf32, #tpu.memory_space<hbm>>
    tpu.wait_dma2 semaphore(%arg19 : memref<!tpu.dma_semaphore, #tpu.memory_space<semaphore_mem>>) src(%arg11 : memref<50x64xf32, #tpu.memory_space<vmem>>) dst(%dma_wait3A_71 : memref<50x64xf32, #tpu.memory_space<hbm>>)
    %dma_wait3A_72 = arith.constant 0 : i32
    %dma_wait3A_73 = arith.constant 0 : i32
    %dma_wait3A_74 = tpu.memref_slice %arg8[%dma_wait3A_72, %dma_wait3A_73] : memref<56x128xf32, #tpu.memory_space<vmem>> -> memref<50x128xf32, #tpu.memory_space<vmem>>
    %dma_wait3A_75 = arith.constant 0 : i32
    %dma_wait3A_76 = tpu.memref_slice %arg5[%dma_wait3A_75] : memref<28672xi32, #tpu.memory_space<vmem>> -> memref<50xi32, #tpu.memory_space<vmem>>
    %dma_wait3A_77 = arith.constant 0 : i32
    %dma_wait3A_78 = arith.constant 0 : i32
    %dma_wait3A_79 = tpu.memref_slice %arg3[%dma_wait3A_77, %dma_wait3A_78] : memref<1000000x128xf32, #tpu.memory_space<hbm>> -> memref<1000000x128xf32, #tpu.memory_space<hbm>>
    tpu.wait_indirect_dma semaphore(%arg16 : memref<!tpu.dma_semaphore, #tpu.memory_space<semaphore_mem>>) src(%dma_wait3A_79 : memref<1000000x128xf32, #tpu.memory_space<hbm>>) dst(%dma_wait3A_74 : memref<50x128xf32, #tpu.memory_space<vmem>>)
    %dma_wait3A_80 = arith.constant 0 : i32
    %dma_wait3A_81 = arith.constant 0 : i32
    %dma_wait3A_82 = tpu.memref_slice %arg4[%mul3A_2, %dma_wait3A_80, %dma_wait3A_81] : memref<16384x50x64xf32, #tpu.memory_space<hbm>> -> memref<1x50x64xf32, #tpu.memory_space<hbm>>
    %dma_wait3A_83 = tpu.memref_squeeze %dma_wait3A_82 : memref<1x50x64xf32, #tpu.memory_space<hbm>> -> memref<50x64xf32, #tpu.memory_space<hbm>>
    %dma_wait3A_84 = arith.constant 0 : i32
    %dma_wait3A_85 = arith.constant 0 : i32
    %dma_wait3A_86 = tpu.memref_slice %arg4[%mul3A_2, %dma_wait3A_84, %dma_wait3A_85] : memref<16384x50x64xf32, #tpu.memory_space<hbm>> -> memref<1x50x64xf32, #tpu.memory_space<hbm>>
    %dma_wait3A_87 = tpu.memref_squeeze %dma_wait3A_86 : memref<1x50x64xf32, #tpu.memory_space<hbm>> -> memref<50x64xf32, #tpu.memory_space<hbm>>
    tpu.wait_dma2 semaphore(%arg20 : memref<!tpu.dma_semaphore, #tpu.memory_space<semaphore_mem>>) src(%arg12 : memref<50x64xf32, #tpu.memory_space<vmem>>) dst(%dma_wait3A_87 : memref<50x64xf32, #tpu.memory_space<hbm>>)
    %dma_wait3A_88 = arith.constant 0 : i32
    %dma_wait3A_89 = arith.constant 0 : i32
    %dma_wait3A_90 = tpu.memref_slice %arg9[%dma_wait3A_88, %dma_wait3A_89] : memref<56x128xf32, #tpu.memory_space<vmem>> -> memref<50x128xf32, #tpu.memory_space<vmem>>
    %dma_wait3A_91 = arith.constant 0 : i32
    %dma_wait3A_92 = tpu.memref_slice %arg5[%dma_wait3A_91] : memref<28672xi32, #tpu.memory_space<vmem>> -> memref<50xi32, #tpu.memory_space<vmem>>
    %dma_wait3A_93 = arith.constant 0 : i32
    %dma_wait3A_94 = arith.constant 0 : i32
    %dma_wait3A_95 = tpu.memref_slice %arg3[%dma_wait3A_93, %dma_wait3A_94] : memref<1000000x128xf32, #tpu.memory_space<hbm>> -> memref<1000000x128xf32, #tpu.memory_space<hbm>>
    tpu.wait_indirect_dma semaphore(%arg17 : memref<!tpu.dma_semaphore, #tpu.memory_space<semaphore_mem>>) src(%dma_wait3A_95 : memref<1000000x128xf32, #tpu.memory_space<hbm>>) dst(%dma_wait3A_90 : memref<50x128xf32, #tpu.memory_space<vmem>>)
    %dma_wait3A_96 = arith.constant 0 : i32
    %dma_wait3A_97 = arith.constant 0 : i32
    %dma_wait3A_98 = tpu.memref_slice %arg4[%mul3A_2, %dma_wait3A_96, %dma_wait3A_97] : memref<16384x50x64xf32, #tpu.memory_space<hbm>> -> memref<1x50x64xf32, #tpu.memory_space<hbm>>
    %dma_wait3A_99 = tpu.memref_squeeze %dma_wait3A_98 : memref<1x50x64xf32, #tpu.memory_space<hbm>> -> memref<50x64xf32, #tpu.memory_space<hbm>>
    %dma_wait3A_100 = arith.constant 0 : i32
    %dma_wait3A_101 = arith.constant 0 : i32
    %dma_wait3A_102 = tpu.memref_slice %arg4[%mul3A_2, %dma_wait3A_100, %dma_wait3A_101] : memref<16384x50x64xf32, #tpu.memory_space<hbm>> -> memref<1x50x64xf32, #tpu.memory_space<hbm>>
    %dma_wait3A_103 = tpu.memref_squeeze %dma_wait3A_102 : memref<1x50x64xf32, #tpu.memory_space<hbm>> -> memref<50x64xf32, #tpu.memory_space<hbm>>
    tpu.wait_dma2 semaphore(%arg21 : memref<!tpu.dma_semaphore, #tpu.memory_space<semaphore_mem>>) src(%arg13 : memref<50x64xf32, #tpu.memory_space<vmem>>) dst(%dma_wait3A_103 : memref<50x64xf32, #tpu.memory_space<hbm>>)
    return
  }
}

</mosaic_0001>

<sc_bundles>
// kernel: kernel.3.cloned.1.call-start
scs
__scs_entry_jumppad:
0x0: {  	(pc) =	sbr.rel $0x88, $3  }
0x1: {  	(tag) =	ssettag $0x0;
	lr =	simm.s32 $0x1  }
0x2: {  	[smem:$0x3F9F] =	sst lr;
	_ =	strace $0xD0000000  }
0x3: {  	_ = 	snop  }
0x4: {  	_ = 	snop  }
0x5: {  	_ = 	snop  }
0x6: {  	_ = 	snop  }
0x7: {  	_ = 	snop  }
__scs_overlays_trampoline_lowered:
0x8: {  	[smem:$0x3FAE] =	sst s0  }
0x9: {  	[smem:$0x3FAF] =	sst s1  }
0xa: {  	[smem:$0x3FB0] =	sst s2  }
0xb: {  	[smem:$0x3FB1] =	sst s3  }
0xc: {  	[smem:$0x3FB2] =	sst s4  }
0xd: {  	[smem:$0x3FB3] =	sst s5  }
0xe: {  	[smem:$0x3FB4] =	sst s6  }
0xf: {  	[smem:$0x3FB5] =	sst s7  }
0x10: {  	[smem:$0x3FB6] =	sst s8  }
0x11: {  	[smem:$0x3FB7] =	sst s9;
	s0 =	simm.s32 @!p0 $0x0  }
0x12: {  	s1 =	sld [smem:$0x3F9D];
	s0 =	simm.s32 @p0 $0x1  }
0x13: {  	[smem:$0x3FB8] =	sst s0;
	s0 =	simm.s32 @!p1 $0x0  }
0x14: {  	s2 =	sld [smem:$0x3F9C];
	s0 =	simm.s32 @p1 $0x1  }
0x15: {  	[smem:$0x3FB9] =	sst s0;
	s0 =	simm.s32 @!p2 $0x0  }
0x16: {  	s3 =	sld [smem:$0x3FDB];
	s0 =	simm.s32 @p2 $0x1  }
0x17: {  	s4 =	simm.s32 $0x1BF5;
	[smem:$0x3FBB] =	sst s0  }
0x18: {  	s0 =	sld [smem:$0x3F9E];
	_ =	swait.ge [sflag:s4], $0x0  }
0x19: {  	s7 =	sld [smem:$0x3F9F]  }
0x1a: {  	s8 =	sadd.s32 $0xFFFFE003, lr  }
0x1b: {  	s9 =	sadd.s32 $0xFFFFFEF7, lr;
	s5 =	simm.s32 $0xFFFFFFFF;
	p2 =	slt.u32 s8, $0xFFFFF086  }
0x1c: {  	p1 =	slt.u32 s9, $0xF7A;
	s5 =	simm.s32 @!p2 $0x0  }
0x1d: {  	s5 =	simm.s32 @p1 $0x1;
	p0 =	seq.s32 s7, s2  }
0x1e: {  	s7 =	smul.u32 @!p0 $0xF7A, s2;
	p2 =	seq.s32 @!p0 s5, $0x0  }
0x1f: {  	s9 =	smul.u32 $0xF7A, s1;
	s8 =	simm.s32 @!p0 $0x1BF5;
	p2 =	por !p2, p0  }
0x20: {  	[sflag:s8] =	ssyncset.s32 @!p0 $0xFFFFF086;
	s6 =	sadd.s32 @!p0 s3, s7;
	s7 =	simm.s32 @!p0 $0x108  }
0x21: {  	s3 =	sadd.s32 s3, s9;
	s6 =	sadd.s32 @!p0 $0x88, s6;
	s7 =	simm.s32 @p2 $0x1082  }
0x22: {  	[simem:s7], [sflag:s8] =	dma.local @!p0 [hbm:s6], $0xF7A  }
0x23: {  	s9 =	sor.u32 $0xD0000000, s2;
	s6 =	simm.s32 $0x108;
	_ =	swait.ge @!p0 [sflag:s8], $0x0  }
0x24: {  	s3 =	sadd.s32 $0x88, s3;
	s6 =	simm.s32 @!p1 $0x1082;
	[sflag:s4] =	ssyncset.s32 $0xFFFFF086  }
0x25: {  	[simem:s6], [sflag:s4] =	dma.local [hbm:s3], $0xF7A  }
0x26: {  	[smem:$0x3F9F] =	sst s1;
	(tag) =	ssettag s2;
	_ =	strace s9  }
0x27: {  	s1 =	sld [smem:$0x3FAF]  }
0x28: {  	s2 =	sld [smem:$0x3FB0]  }
0x29: {  	s4 =	sld [smem:$0x3FB2]  }
0x2a: {  	p0 =	seq.s32 s5, $0x0;
	s5 =	sld [smem:$0x3FB3]  }
0x2b: {  	s6 =	sld [smem:$0x3FB4]  }
0x2c: {  	s7 =	sld [smem:$0x3FB5]  }
0x2d: {  	s3 =	simm.s32 $0x108;
	s8 =	sld [smem:$0x3FB6]  }
0x2e: {  	s3 =	simm.s32 @!p0 $0x1082;
	s9 =	sld [smem:$0x3FB7]  }
0x2f: {  	lr =	sadd.s32 s0, s3;
	s0 =	sld [smem:$0x3FAE]  }
0x30: {  	s3 =	sld [smem:$0x3FB1]  }
0x31: {  	[smem:$0x3FBA] =	sst s10  }
0x32: {  	s10 =	sld [smem:$0x3FB8];
	_ =	sdelay $0x3  }
0x33: {  	p0 =	seq.s32 s10, $0x1;
	s10 =	sld [smem:$0x3FBA];
	_ =	sdelay $0x3  }
0x34: {  	[smem:$0x3FBA] =	sst s10  }
0x35: {  	s10 =	sld [smem:$0x3FB9];
	_ =	sdelay $0x3  }
0x36: {  	p1 =	seq.s32 s10, $0x1;
	s10 =	sld [smem:$0x3FBA];
	_ =	sdelay $0x3  }
0x37: {  	[smem:$0x3FBA] =	sst s10  }
0x38: {  	s10 =	sld [smem:$0x3FBB]  }
0x39: {  	_ = 	snop;
	(pc) =	sbr.ind lr, $3  }
0x3a: {  	_ = 	snop  }
0x3b: {  	_ = 	snop  }
0x3c: {  	p2 =	seq.s32 s10, $0x1;
	s10 =	sld [smem:$0x3FBA]  }
0x3d: {  	_ =	shalt  }
0x3e: {  	_ =	shalt  }
0x3f: {  	_ =	shalt  }
0x40: {  	_ =	shalt  }
0x41: {  	_ =	shalt  }
0x42: {  	_ =	shalt  }
0x43: {  	_ =	shalt  }
0x44: {  	_ =	shalt  }
0x45: {  	_ =	shalt  }
0x46: {  	_ =	shalt  }
0x47: {  	_ =	shalt  }
0x48: {  	_ =	shalt  }
0x49: {  	_ =	shalt  }
0x4a: {  	_ =	shalt  }
0x4b: {  	_ =	shalt  }
0x4c: {  	_ =	shalt  }
0x4d: {  	_ =	shalt  }
0x4e: {  	_ =	shalt  }
0x4f: {  	_ =	shalt  }
0x50: {  	_ =	shalt  }
0x51: {  	_ =	shalt  }
0x52: {  	_ =	shalt  }
0x53: {  	_ =	shalt  }
0x54: {  	_ =	shalt  }
0x55: {  	_ =	shalt  }
0x56: {  	_ =	shalt  }
0x57: {  	_ =	shalt  }
0x58: {  	_ =	shalt  }
0x59: {  	_ =	shalt  }
0x5a: {  	_ =	shalt  }
0x5b: {  	_ =	shalt  }
0x5c: {  	_ =	shalt  }
0x5d: {  	_ =	shalt  }
0x5e: {  	_ =	shalt  }
0x5f: {  	_ =	shalt  }
0x60: {  	_ =	shalt  }
0x61: {  	_ =	shalt  }
0x62: {  	_ =	shalt  }
0x63: {  	_ =	shalt  }
0x64: {  	_ =	shalt  }
0x65: {  	_ =	shalt  }
0x66: {  	_ =	shalt  }
0x67: {  	_ =	shalt  }
0x68: {  	_ =	shalt  }
0x69: {  	_ =	shalt  }
0x6a: {  	_ =	shalt  }
0x6b: {  	_ =	shalt  }
0x6c: {  	_ =	shalt  }
0x6d: {  	_ =	shalt  }
0x6e: {  	_ =	shalt  }
0x6f: {  	_ =	shalt  }
0x70: {  	_ =	shalt  }
0x71: {  	_ =	shalt  }
0x72: {  	_ =	shalt  }
0x73: {  	_ =	shalt  }
0x74: {  	_ =	shalt  }
0x75: {  	_ =	shalt  }
0x76: {  	_ =	shalt  }
0x77: {  	_ =	shalt  }
0x78: {  	_ =	shalt  }
0x79: {  	_ =	shalt  }
0x7a: {  	_ =	shalt  }
0x7b: {  	_ =	shalt  }
0x7c: {  	_ =	shalt  }
0x7d: {  	_ =	shalt  }
0x7e: {  	_ =	shalt  }
0x7f: {  	_ =	shalt  }
0x80: {  	_ =	shalt  }
0x81: {  	_ =	shalt  }
0x82: {  	_ =	shalt  }
0x83: {  	_ =	shalt  }
0x84: {  	_ =	shalt  }
0x85: {  	_ =	shalt  }
0x86: {  	_ =	shalt  }
0x87: {  	_ =	shalt  }
.Lfunc_end0:
.L_simem_size_0:
called_computation_lowered:
.L_overlay_start_0:
0x88: {  	s2 =	sld [smem:$0x3FD9]  }
0x89: {  	s3 =	sld [smem:$0x3FFE];
	_ =	sdelay $0x1  }
0x8a: {  	s1 =	srdreg.scid  }
0x8b: {  	s0 =	sand.u32 $0x1, s1  }
0x8c: {  	s17 =	sshll.u32 s0, $0xA;
	s2 =	sadd.s32 s3, s2  }
0x8d: {  	s2 =	sadd.s32 s2, s17  }
0x8e: {  	[smem:$0x3FC6] =	sst s2  }
0x8f: {  	_ = 	snop  }
0x90: {  	s2 =	sld [smem:$0x3FD0];
	(tm) =	ssettm $0x1  }
0x91: {  	s18 =	sld [smem:$0x3FFB];
	_ =	sdelay $0x3  }
0x92: {  	_ =	strace s18  }
0x93: {  	s3 =	sld [smem:$0x3FFC];
	_ =	sdelay $0x3  }
0x94: {  	_ =	strace s3  }
0x95: {  	s3 =	sld [smem:$0x3FFD];
	_ =	sdelay $0x3  }
0x96: {  	_ =	strace s3  }
0x97: {  	_ =	strace $0x8FFFFFFF  }
0x98: {  	s19 =	sld [smem:$0x3FDB];
	_ =	sdelay $0x1  }
0x99: {  	s4 =	simm.s32 $_scs_section_size  }
0x9a: {  	s5 =	simm.s32 $_size__tile_overlayer_lowered;
	s6 =	simm.s32 $_tile_overlayer_lowered  }
0x9b: {  	s22 =	simm.s32 $0x1BFF;
	s21 =	sshll.u32 s6, $0x1;
	s3 =	sadd.s32 s4, s19  }
0x9c: {  	s7 =	simm.s32 $0x0;
	s20 =	sshll.u32 s5, $0x1;
	s5 =	sadd.s32 s21, s3  }
0x9d: {  	[timem:s7], [sflag:s22] =	dma.local [hbm:s5], s20  }
0x9e: {  	_ =	swait.ge [sflag:s22], s20  }
0x9f: {  	s4 =	ssub.s32 $0x0, s20;
	[sflag:s22] =	ssyncset.done $0x0  }
0xa0: {  	[sflag:s22] =	ssyncadd.s32 s4;
	_ =	sdelay $0x1  }
0xa1: {  	s23 =	simm.s32 $0x1B8B  }
0xa2: {  	_ =	swait.ge [sflag:s23], $0x1  }
0xa3: {  	[sflag:s23] =	ssyncset.done $0x0  }
0xa4: {  	s25 =	simm.s32 $0x1B8E;
	s24 =	sld [smem:$0x3FFE];
	[sflag:s23] =	ssyncadd.s32 $0xFFFFFFFF  }
0xa5: {  	s26 =	simm.s32 $execute0_lowered;
	[smem:$0x3FD2] =	sst s25  }
0xa6: {  	s5 =	sshll.u32 s26, $0x1;
	_ =	strace $0x80000046;
	[dreg:$0x1] =	wrdreg $0xFFFFFFFF  }
0xa7: {  	s28 =	simm.s32 $_size_execute0_lowered;
	s3 =	sadd.s32 s3, s5;
	[dreg:$0x0] =	wrdreg $0x0  }
0xa8: {  	s5 =	sshll.u32 s28, $0x1;
	[dreg:$0x2] =	wrdreg s3  }
0xa9: {  	[dreg:$0x3] =	wrdreg s5  }
0xaa: {  	[dreg:$0x4] =	wrdreg $0xC0  }
0xab: {  	_ =	task [dreg:s7], $0x5FFFF  }
0xac: {  	[dreg:$0x1] =	wrdreg $0xFFFFFFFF  }
0xad: {  	[dreg:$0x0] =	wrdreg $0x60  }
0xae: {  	[dreg:$0x2] =	wrdreg s2  }
0xaf: {  	[dreg:$0x3] =	wrdreg s24  }
0xb0: {  	[dreg:$0x4] =	wrdreg $0x9  }
0xb1: {  	_ =	task.clear_ibuf [dreg:s7], $0x5FFFF;
	_ =	strace $0x90000046  }
0xb2: {  	s29 =	simm.s32 $0x9;
	_ =	strace $0x80000048  }
0xb3: {  	_ =	swait.ge [sflag:s29], $0x1  }
0xb4: {  	[sflag:s29] =	ssyncadd.s32 $0xFFFFFFFF  }
0xb5: {  	_ =	strace $0x90000048  }
0xb6: {  	_ =	sfence  }
0xb7: {  	s30 =	sld [smem:$0x0];
	_ =	sdelay $0x2  }
0xb8: {  	s31 =	sshll.u32 s1, $0xD;
	s1 =	sshrl.u32 s1, $0x2  }
0xb9: {  	s3 =	sand.u32 $0x4000, s31;
	s1 =	sadd.s32 s1, s30  }
0xba: {  	s0 =	sor.u32 s3, s0;
	s1 =	sshll.u32 s1, $0x11  }
0xbb: {  	s0 =	sor.u32 s1, s0  }
0xbc: {  	s0 =	sadd.s32 $0x8F2B, s0  }
0xbd: {  	[sflag:s0] =	ssyncadd.remote.s32 $0x1  }
0xbe: {  	_ =	sfence.sel $0xFFFF  }
0xbf: {  	[dreg:$0x0] =	wrdreg $0xFFFFFFFF;
	(pc) =	sbr.abs _section_cstart, $3  }
0xc0: {  	[dreg:$0x1] =	wrdreg $0xFFFFFFFF  }
0xc1: {  	_ =	task.clear_ibuf [dreg:s7], $0x2FFFF;
	_ =	strace $0x9FFFFFFF  }
0xc2: {  	(tm) =	ssettm $0x7FFFFFFF  }
0xc3: {  	_ =	shalt  }
tec
execute0_lowered:
.L_overlay_start_1:
0x0: {  	(tag) =	ssettag $0x1  }
0x1: {  	s0 =	rddreg [dreg:$0x0]  }
0x2: {  	s1 =	rddreg [dreg:$0x1]  }
0x3: {  	s2 =	simm.s32 $0x0;
	s3 =	srdreg.scid;
	s4 =	stileid.u32  }
0x4: {  	s9 =	simm.s32 $0x32;
	s10 =	simm.s32 $0x7000;
	s12 =	simm.s32 $0x8C00  }
0x5: {  	s14 =	simm.s32 $0xA800;
	s16 =	simm.s32 $0xC400;
	s17 =	simm.s32 $0x1  }
0x6: {  	s18 =	simm.s32 $0xE000;
	s19 =	simm.s32 $0x2;
	s20 =	simm.s32 $0xFC00  }
0x7: {  	s21 =	simm.s32 $0x3;
	s22 =	simm.s32 $0x11800;
	s23 =	simm.s32 $0x4  }
0x8: {  	s24 =	simm.s32 $0x13400;
	s25 =	simm.s32 $0x5;
	s26 =	simm.s32 $0x6  }
0x9: {  	s28 =	simm.s32 $0x7;
	s29 =	simm.s32 $0x8;
	s30 =	simm.s32 $0x0  }
0xa: {  	[smem:$0x7FF] =	sst s2;
	s3 =	sand.u32 $0x1, s3;
	s4 =	sshll.u32 s4, $0x1  }
0xb: {  	_ =	strace $0x80000047;
	s5 =	ssub.s32 $0x2, s3;
	s6 =	sor.u32 s3, s4  }
0xc: {  	s3 =	sadd.s32 $0xF42A00, s1;
	s7 =	sshrl.u32 s5, $0x1;
	s8 =	smul.u32 $0xE00, s6  }
0xd: {  	s4 =	sadd.s32 $0x600, s1;
	s31 =	ssub.s32 s5, s7;
	s5 =	sshll.u32 s6, $0x9  }
0xe: {  	s6 =	sadd.s32 s0, s8;
	s7 =	smax.u32 s31, $0x1;
	s8 =	simm.s32 $0x9  }
.LBB2_1:
0xf: {  	[tilespmem:s2], [sflag:$0x9] =	stream.linear.gather [hbm4b:s6+s2], $0x7000, $0x38;
	[tilespmem:$0x15000] =	vst v63  }
0x10: {  	_ =	swait.ge [sflag:s8], $0x7000  }
0x11: {  	[sflag:s8] =	ssyncset.done $0x0  }
0x12: {  	[sflag:s8] =	ssyncadd.s32 $0xFFFF9000  }
0x13: {  	[tilespmem:s10], [sflag:$0x1] =	stream.indirect.gather [hbm4b:s3+s9], $0x80, s2, s9, $0xb8;
	[tilespmem:$0x15000] =	vst v63  }
0x14: {  	s0 =	simm.s32 $0x38  }
0x15: {  	[tilespmem:s12], [sflag:$0x2] =	stream.indirect.gather [hbm4b:s3+s9], $0x80, s0, s9, $0xb8;
	[tilespmem:$0x15000] =	vst v63  }
0x16: {  	s13 =	simm.s32 $0x70  }
0x17: {  	[tilespmem:s14], [sflag:$0x3] =	stream.indirect.gather [hbm4b:s3+s9], $0x80, s13, s9, $0xb8;
	[tilespmem:$0x15000] =	vst v63  }
0x18: {  	s15 =	simm.s32 $0xA8;
	s31 =	simm.s32 $0x0  }
0x19: {  	[tilespmem:s16], [sflag:$0x4] =	stream.indirect.gather [hbm4b:s3+s9], $0x80, s15, s9, $0xb8;
	[tilespmem:$0x15000] =	vst v63  }
.LBB2_2:
0x1a: {  	_ =	swait.ge [sflag:s17], $0x1900  }
0x1b: {  	p0 =	seq.s32 s31, $0x0;
	[sflag:s17] =	ssyncset.done $0x0  }
0x1c: {  	s0 =	simm.s32 @!p0 $0x5;
	[sflag:s17] =	ssyncadd.s32 $0xFFFFE700  }
0x1d: {  	_ =	swait.ge @!p0 [sflag:s0], $0x1900  }
0x1e: {  	[sflag:s0] =	ssyncset.done @!p0 $0x0  }
0x1f: {  	s1 =	simm.s32 $0x0;
	[sflag:s0] =	ssyncadd.s32 @!p0 $0xFFFFE700  }
0x20: {  	v2 =	vld [tilespmem:s1+$0x7030]  }
0x21: {  	v1 =	vld [tilespmem:s1+$0x7000]  }
0x22: {  	v0 =	vld [tilespmem:s1+$0x7010]  }
0x23: {  	s11 =	simm.s32 $0x200;
	s0 =	sshll.u32 s31, $0x2;
	v3 =	vld [tilespmem:s1+$0x7020]  }
.LBB2_3:
0x24: {  	p1 =	sne.s32 s11, $0x6200  }
.Ltmp0:
0x25: {  	s13 =	sshra.s32 s11, $0x2;
	s11 =	sadd.s32 $0x200, s11;
	[tilespmem:s1+$0xE030] =	vst v2;
	(pc) =	sbr.rel @p1 .LBB2_3-.Ltmp0, $4  }
0x26: {  	v2 =	vld [tilespmem:s13+$0x7030];
	[tilespmem:s1+$0xE000] =	vst v1  }
0x27: {  	v1 =	vld [tilespmem:s13+$0x7000];
	[tilespmem:s1+$0xE010] =	vst v0  }
0x28: {  	v0 =	vld [tilespmem:s13+$0x7010];
	[tilespmem:s1+$0xE020] =	vst v3;
	s1 =	smov.u32 s13  }
0x29: {  	v3 =	vld [tilespmem:s1+$0x7020]  }
0x2a: {  	s11 =	sadd.s32 $0x4, s0  }
0x2b: {  	[tilespmem:s1+$0xE030] =	vst v2;
	s11 =	sand.u32 $0x1FC, s11  }
0x2c: {  	[tilespmem:s1+$0xE000] =	vst v1;
	s11 =	smul.u32 $0xE0, s11  }
0x2d: {  	s13 =	sadd.s32 s5, s0;
	[tilespmem:s1+$0xE010] =	vst v0  }
0x2e: {  	s13 =	smul.u32 $0x380, s13;
	[tilespmem:s1+$0xE020] =	vst v3;
	s11 =	sshrl.u32 s11, $0x2  }
0x2f: {  	[tilespmem:s10], [sflag:$0x1] =	stream.indirect.gather [hbm4b:s3+s9], $0x80, s11, s9, $0xb8;
	[tilespmem:$0x15000] =	vst v63  }
0x30: {  	s15 =	sadd.s32 s4, s13  }
0x31: {  	[hbm4b:s15+s2] =	stream.linear.scatter [tilespmem:s18], [sflag:$0x5], $0x1900, $0x38;
	[tilespmem:$0x15000] =	vst v63  }
0x32: {  	_ =	swait.ge [sflag:s19], $0x1900  }
0x33: {  	[sflag:s19] =	ssyncset.done $0x0  }
0x34: {  	s1 =	simm.s32 @!p0 $0x6;
	[sflag:s19] =	ssyncadd.s32 $0xFFFFE700  }
0x35: {  	_ =	swait.ge @!p0 [sflag:s1], $0x1900  }
0x36: {  	[sflag:s1] =	ssyncset.done @!p0 $0x0  }
0x37: {  	[sflag:s1] =	ssyncadd.s32 @!p0 $0xFFFFE700;
	s1 =	simm.s32 $0x0  }
0x38: {  	v3 =	vld [tilespmem:s1+$0x8C30]  }
0x39: {  	v1 =	vld [tilespmem:s1+$0x8C00]  }
0x3a: {  	v0 =	vld [tilespmem:s1+$0x8C10]  }
0x3b: {  	s11 =	simm.s32 $0x200;
	v2 =	vld [tilespmem:s1+$0x8C20]  }
.LBB2_5:
0x3c: {  	p1 =	sne.s32 s11, $0x6200  }
.Ltmp1:
0x3d: {  	s13 =	sshra.s32 s11, $0x2;
	s11 =	sadd.s32 $0x200, s11;
	[tilespmem:s1+$0xFC30] =	vst v3;
	(pc) =	sbr.rel @p1 .LBB2_5-.Ltmp1, $4  }
0x3e: {  	v3 =	vld [tilespmem:s13+$0x8C30];
	[tilespmem:s1+$0xFC00] =	vst v1  }
0x3f: {  	v1 =	vld [tilespmem:s13+$0x8C00];
	[tilespmem:s1+$0xFC10] =	vst v0  }
0x40: {  	v0 =	vld [tilespmem:s13+$0x8C10];
	[tilespmem:s1+$0xFC20] =	vst v2;
	s1 =	smov.u32 s13  }
0x41: {  	v2 =	vld [tilespmem:s1+$0x8C20]  }
0x42: {  	s11 =	sadd.s32 $0x5, s0;
	s13 =	sadd.s32 s0, s5  }
0x43: {  	[tilespmem:s1+$0xFC30] =	vst v3;
	s11 =	sand.u32 $0x1FD, s11;
	s15 =	smul.u32 $0x380, s13  }
0x44: {  	[tilespmem:s1+$0xFC00] =	vst v1;
	s11 =	smul.u32 $0xE0, s11  }
0x45: {  	[tilespmem:s1+$0xFC10] =	vst v0  }
0x46: {  	[tilespmem:s1+$0xFC20] =	vst v2;
	s11 =	sshrl.u32 s11, $0x2;
	s1 =	sadd.s32 s4, s15  }
0x47: {  	[tilespmem:s12], [sflag:$0x2] =	stream.indirect.gather [hbm4b:s3+s9], $0x80, s11, s9, $0xb8;
	[tilespmem:$0x15000] =	vst v63  }
0x48: {  	s11 =	sadd.s32 $0x380, s1  }
0x49: {  	[hbm4b:s11+s2] =	stream.linear.scatter [tilespmem:s20], [sflag:$0x6], $0x1900, $0x38;
	[tilespmem:$0x15000] =	vst v63  }
0x4a: {  	_ =	swait.ge [sflag:s21], $0x1900  }
0x4b: {  	[sflag:s21] =	ssyncset.done $0x0  }
0x4c: {  	s11 =	simm.s32 @!p0 $0x7;
	[sflag:s21] =	ssyncadd.s32 $0xFFFFE700  }
0x4d: {  	_ =	swait.ge @!p0 [sflag:s11], $0x1900  }
0x4e: {  	[sflag:s11] =	ssyncset.done @!p0 $0x0  }
0x4f: {  	[sflag:s11] =	ssyncadd.s32 @!p0 $0xFFFFE700;
	s11 =	simm.s32 $0x0  }
0x50: {  	v2 =	vld [tilespmem:s11+$0xA830]  }
0x51: {  	v1 =	vld [tilespmem:s11+$0xA800]  }
0x52: {  	v0 =	vld [tilespmem:s11+$0xA810]  }
0x53: {  	s13 =	simm.s32 $0x200;
	v3 =	vld [tilespmem:s11+$0xA820]  }
.LBB2_7:
0x54: {  	p1 =	sne.s32 s13, $0x6200  }
.Ltmp2:
0x55: {  	s15 =	sshra.s32 s13, $0x2;
	s13 =	sadd.s32 $0x200, s13;
	[tilespmem:s11+$0x11830] =	vst v2;
	(pc) =	sbr.rel @p1 .LBB2_7-.Ltmp2, $4  }
0x56: {  	v2 =	vld [tilespmem:s15+$0xA830];
	[tilespmem:s11+$0x11800] =	vst v1  }
0x57: {  	v1 =	vld [tilespmem:s15+$0xA800];
	[tilespmem:s11+$0x11810] =	vst v0  }
0x58: {  	v0 =	vld [tilespmem:s15+$0xA810];
	[tilespmem:s11+$0x11820] =	vst v3;
	s11 =	smov.u32 s15  }
0x59: {  	v3 =	vld [tilespmem:s11+$0xA820]  }
0x5a: {  	s13 =	sadd.s32 $0x6, s0  }
0x5b: {  	[tilespmem:s11+$0x11830] =	vst v2;
	s13 =	sand.u32 $0x1FE, s13  }
0x5c: {  	[tilespmem:s11+$0x11800] =	vst v1;
	s13 =	smul.u32 $0xE0, s13  }
0x5d: {  	[tilespmem:s11+$0x11810] =	vst v0  }
0x5e: {  	[tilespmem:s11+$0x11820] =	vst v3;
	s13 =	sshrl.u32 s13, $0x2  }
0x5f: {  	[tilespmem:s14], [sflag:$0x3] =	stream.indirect.gather [hbm4b:s3+s9], $0x80, s13, s9, $0xb8;
	[tilespmem:$0x15000] =	vst v63  }
0x60: {  	s15 =	sadd.s32 $0x700, s1  }
0x61: {  	[hbm4b:s15+s2] =	stream.linear.scatter [tilespmem:s22], [sflag:$0x7], $0x1900, $0x38;
	[tilespmem:$0x15000] =	vst v63  }
0x62: {  	_ =	swait.ge [sflag:s23], $0x1900  }
0x63: {  	[sflag:s23] =	ssyncset.done $0x0  }
0x64: {  	s11 =	simm.s32 @!p0 $0x8;
	[sflag:s23] =	ssyncadd.s32 $0xFFFFE700  }
0x65: {  	_ =	swait.ge @!p0 [sflag:s11], $0x1900  }
0x66: {  	[sflag:s11] =	ssyncset.done @!p0 $0x0  }
0x67: {  	[sflag:s11] =	ssyncadd.s32 @!p0 $0xFFFFE700;
	s11 =	simm.s32 $0x0  }
0x68: {  	v2 =	vld [tilespmem:s11+$0xC430]  }
0x69: {  	v1 =	vld [tilespmem:s11+$0xC400]  }
0x6a: {  	v0 =	vld [tilespmem:s11+$0xC410]  }
0x6b: {  	s13 =	simm.s32 $0x200;
	v3 =	vld [tilespmem:s11+$0xC420]  }
.LBB2_9:
0x6c: {  	p0 =	sne.s32 s13, $0x6200  }
.Ltmp3:
0x6d: {  	s15 =	sshra.s32 s13, $0x2;
	s13 =	sadd.s32 $0x200, s13;
	[tilespmem:s11+$0x13430] =	vst v2;
	(pc) =	sbr.rel @p0 .LBB2_9-.Ltmp3, $4  }
0x6e: {  	v2 =	vld [tilespmem:s15+$0xC430];
	[tilespmem:s11+$0x13400] =	vst v1  }
0x6f: {  	v1 =	vld [tilespmem:s15+$0xC400];
	[tilespmem:s11+$0x13410] =	vst v0  }
0x70: {  	v0 =	vld [tilespmem:s15+$0xC410];
	[tilespmem:s11+$0x13420] =	vst v3;
	s11 =	smov.u32 s15  }
0x71: {  	v3 =	vld [tilespmem:s11+$0xC420]  }
0x72: {  	s0 =	sadd.s32 $0x7, s0  }
0x73: {  	s31 =	sadd.s32 $0x1, s31;
	[tilespmem:s11+$0x13430] =	vst v2;
	s0 =	sand.u32 $0x1FF, s0  }
0x74: {  	p0 =	sne.s32 s31, $0x80;
	[tilespmem:s11+$0x13400] =	vst v1;
	s0 =	smul.u32 $0xE0, s0  }
.Ltmp4:
0x75: {  	[tilespmem:s11+$0x13410] =	vst v0;
	(pc) =	sbr.rel @p0 .LBB2_2-.Ltmp4, $4  }
0x76: {  	[tilespmem:s11+$0x13420] =	vst v3;
	s0 =	sshrl.u32 s0, $0x2  }
0x77: {  	[tilespmem:s16], [sflag:$0x4] =	stream.indirect.gather [hbm4b:s3+s9], $0x80, s0, s9, $0xb8;
	[tilespmem:$0x15000] =	vst v63  }
0x78: {  	s15 =	sadd.s32 $0xA80, s1  }
0x79: {  	[hbm4b:s15+s2] =	stream.linear.scatter [tilespmem:s24], [sflag:$0x8], $0x1900, $0x38;
	[tilespmem:$0x15000] =	vst v63  }
0x7a: {  	_ =	swait.ge [sflag:s17], $0x1900  }
0x7b: {  	[sflag:s17] =	ssyncset.done $0x0  }
0x7c: {  	[sflag:s17] =	ssyncadd.s32 $0xFFFFE700  }
0x7d: {  	_ =	swait.ge [sflag:s25], $0x1900  }
0x7e: {  	[sflag:s25] =	ssyncset.done $0x0  }
0x7f: {  	[sflag:s25] =	ssyncadd.s32 $0xFFFFE700  }
0x80: {  	_ =	swait.ge [sflag:s19], $0x1900  }
0x81: {  	[sflag:s19] =	ssyncset.done $0x0  }
0x82: {  	[sflag:s19] =	ssyncadd.s32 $0xFFFFE700  }
0x83: {  	_ =	swait.ge [sflag:s26], $0x1900  }
0x84: {  	[sflag:s26] =	ssyncset.done $0x0  }
0x85: {  	[sflag:s26] =	ssyncadd.s32 $0xFFFFE700  }
0x86: {  	_ =	swait.ge [sflag:s21], $0x1900  }
0x87: {  	[sflag:s21] =	ssyncset.done $0x0  }
0x88: {  	[sflag:s21] =	ssyncadd.s32 $0xFFFFE700  }
0x89: {  	_ =	swait.ge [sflag:s28], $0x1900  }
0x8a: {  	[sflag:s28] =	ssyncset.done $0x0  }
0x8b: {  	s30 =	sadd.s32 $0x1, s30;
	[sflag:s28] =	ssyncadd.s32 $0xFFFFE700  }
0x8c: {  	p0 =	sne.s32 s30, s7;
	_ =	swait.ge [sflag:s23], $0x1900  }
.Ltmp5:
0x8d: {  	[sflag:s23] =	ssyncset.done $0x0;
	(pc) =	sbr.rel @p0 .LBB2_1-.Ltmp5, $4  }
0x8e: {  	[sflag:s23] =	ssyncadd.s32 $0xFFFFE700  }
0x8f: {  	_ =	swait.ge [sflag:s29], $0x1900  }
0x90: {  	[sflag:s29] =	ssyncset.done $0x0  }
0x91: {  	[sflag:s29] =	ssyncadd.s32 $0xFFFFE700  }
0x92: {  	_ =	sfence.sel $0x180000  }
0x93: {  	[bflag:$0x0] =	sbarrier.arrive $0xFFFF  }
0x94: {  	_ =	strace $0x90000047  }
0x95: {  	s0 =	stileid.u32;
	[bflag:$0x2] =	sbarrier.arrive $0xFFFF  }
0x96: {  	p0 =	sne.s32 s0, $0x0;
	s0 =	rddreg [dreg:$0x2]  }
0x97: {  	s0 =	sadd.s32 @!p0 $0x100000, s0  }
0x98: {  	[sflag:s0] =	ssyncadd.tile.s32 @!p0 $0x1;
	_ =	shalt  }
.Lfunc_end2:
_tile_overlayer_lowered:
.L_overlay_start_2:
0x99: {  	(tag) =	ssettag $0x2  }
0x9a: {  	s0 =	rddreg [dreg:$0x0];
	s2 =	stileid.u32  }
0x9b: {  	s1 =	rddreg [dreg:$0x1];
	p0 =	sne.s32 s2, $0x0  }
0x9c: {  	s3 =	rddreg [dreg:$0x2];
	[bflag:$0x3] =	sbarrier.arrive $0xFFFF;
	s2 =	simm.s32 @!p0 $0x1C09  }
0x9d: {  	[timem:s3], [sflag:s2] =	dma.local @!p0 [hbm:s0], s1  }
0x9e: {  	s0 =	simm.s32 @!p0 $0x9  }
0x9f: {  	_ =	swait.ge @!p0 [sflag:s0], s1  }
0xa0: {  	s1 =	ssub.s32 @!p0 $0x0, s1;
	[sflag:s0] =	ssyncset.done @!p0 $0x0  }
0xa1: {  	[sflag:s0] =	ssyncadd.s32 @!p0 s1  }
0xa2: {  	[bflag:$0x3] =	sbarrier.arrive $0xFFFF  }
0xa3: {  	_ =	shalt  }

</sc_bundles>
